<compile_context>
chip_gen: v7x
topology: tpu7x:2x2x1
jax: 0.10.2.dev20260603
libtpu: 0.0.44.dev20260713+nightly
codegen_flags: <defaults>
</compile_context>

<pallas_src>
import functools

import jax
import jax.numpy as jnp
from jax import lax
from jax.experimental import pallas as pl
from jax.experimental.pallas import tpu as pltpu
from jax.experimental.pallas import tpu_sc as plsc

VOCAB = 4096
DIM = 4096
ROWS = 16384
NW = 32
RPW = ROWS // NW
CH = 8
NBUF = 3
NCH = RPW // CH
LSE_BLOCK = 512


def _lse_body(t_ref, o_ref):
    x = t_ref[...]
    m = jnp.max(x, axis=1, keepdims=True)
    s = jnp.sum(jnp.exp(x - m), axis=1, keepdims=True)
    o_ref[...] = m + jnp.log(s)


def _row_lse(table):
    return pl.pallas_call(
        _lse_body,
        grid=(VOCAB // LSE_BLOCK,),
        in_specs=[pl.BlockSpec((LSE_BLOCK, DIM), lambda i: (i, 0))],
        out_specs=pl.BlockSpec((LSE_BLOCK, 1), lambda i: (i, 0)),
        out_shape=jax.ShapeDtypeStruct((VOCAB, 1), jnp.float32),
    )(table)


def _sc_row_gather(table, idx_flat, t_flat):
    mesh = plsc.VectorSubcoreMesh(core_axis_name="c", subcore_axis_name="s")

    @functools.partial(
        pl.kernel,
        out_type=(jax.ShapeDtypeStruct((ROWS, DIM), jnp.float32),
                  jax.ShapeDtypeStruct((NW, 16), jnp.float32)),
        mesh=mesh,
        scratch_types=[
            pltpu.VMEM((RPW,), jnp.int32),
            pltpu.VMEM((RPW + 16,), jnp.int32),
            pltpu.VMEM((16,), jnp.float32),
            pltpu.VMEM((CH, DIM), jnp.float32),
            pltpu.VMEM((CH, DIM), jnp.float32),
            pltpu.SemaphoreType.DMA,
            pltpu.SemaphoreType.DMA,
        ],
    )
    def k(table_hbm, idx_hbm, t_hbm, out_hbm, tgt_hbm,
          idx_v, t_v, acc_v, buf_a, buf_b, sem_a, sem_b):
        wid = lax.axis_index("s") * 2 + lax.axis_index("c")
        base = wid * RPW
        pltpu.sync_copy(idx_hbm.at[pl.ds(base, RPW)], idx_v)
        pltpu.sync_copy(t_hbm.at[pl.ds(base, RPW)], t_v.at[pl.ds(0, RPW)])
        acc_v[...] = jnp.zeros((16,), jnp.float32)
        lanes = lax.iota(jnp.int32, 16)

        def extract(g, buf):
            t16 = t_v[pl.ds(g * CH, 16)]
            for r in range(CH):
                t_r = t16[r]
                a_r = pl.multiple_of((t_r // 16) * 16, 16)
                v16 = buf[r, pl.ds(a_r, 16)]
                sel = jnp.where(lanes == t_r - a_r, v16,
                                jnp.zeros((16,), jnp.float32))
                acc_v[...] = acc_v[...] + sel

        @pl.loop(0, NCH, step=2)
        def _(g):
            ha = pltpu.async_copy(
                table_hbm.at[idx_v.at[pl.ds(g * CH, CH)]], buf_a, sem_a)
            hb = pltpu.async_copy(
                table_hbm.at[idx_v.at[pl.ds((g + 1) * CH, CH)]], buf_b, sem_b)
            ha.wait()
            extract(g, buf_a)
            pltpu.sync_copy(buf_a, out_hbm.at[pl.ds(base + g * CH, CH)])
            hb.wait()
            extract(g + 1, buf_b)
            pltpu.sync_copy(buf_b, out_hbm.at[pl.ds(base + (g + 1) * CH, CH)])

        pltpu.sync_copy(acc_v, tgt_hbm.at[wid])

    return k(table, idx_flat, t_flat)


def _sumlse_body(i_ref, lse_ref, o_ref):
    @pl.when(pl.program_id(0) == 0)
    def _():
        o_ref[...] = jnp.zeros((1, 1), jnp.float32)

    ids = i_ref[0]
    cols = jax.lax.broadcasted_iota(jnp.int32, (VOCAB, 1), 0)
    m = (cols == ids).astype(jnp.float32)
    contrib = jnp.sum(m * lse_ref[...], keepdims=True)
    o_ref[...] = o_ref[...] + contrib


SUMB = 1024


def _sum_lse(lse2d, idx3):
    return pl.pallas_call(
        _sumlse_body,
        grid=(ROWS // SUMB,),
        in_specs=[pl.BlockSpec((1, 1, SUMB), lambda i: (i, 0, 0)),
                  pl.BlockSpec((VOCAB, 1), lambda i: (0, 0))],
        out_specs=pl.BlockSpec((1, 1), lambda i: (0, 0)),
        out_shape=jax.ShapeDtypeStruct((1, 1), jnp.float32),
    )(idx3, lse2d)


def _loss_body(a_ref, b_ref, o_ref):
    sb = jnp.sum(b_ref[...], keepdims=True)
    o_ref[...] = (a_ref[...] - sb) * (1.0 / float(ROWS))


def _loss(sum_lse, tgt_acc):
    out = pl.pallas_call(
        _loss_body,
        out_shape=jax.ShapeDtypeStruct((1, 1), jnp.float32),
    )(sum_lse, tgt_acc)
    return out[0, 0]


def kernel(table, idx, targets):
    idx_flat = idx.reshape(ROWS).astype(jnp.int32)
    t_flat = targets.reshape(ROWS).astype(jnp.int32)
    idx3 = idx_flat.reshape(ROWS // SUMB, 1, SUMB)
    lse = _row_lse(table)
    logits2, tgt_acc = _sc_row_gather(table, idx_flat, t_flat)
    sum_lse = _sum_lse(lse, idx3)
    loss = _loss(sum_lse, tgt_acc)
    return (logits2, loss)

# --- scband reference (transcript-rebuilt; emitter-appended) ---
"""Pipeline reference for scband-bigram-language-model-20684562498059 (READ-ONLY COPY).

The authoritative reference and input builder live on the scoring server;
editing this copy changes nothing except your own understanding.
"""

import jax, jax.numpy as jnp
import numpy as np

VOCAB = 4096
B = 16
T = 1024


def setup_inputs(seed: int = 0) -> dict:
    key = jax.random.key(seed)
    k1, k2, k3 = jax.random.split(key, 3)
    idx = jax.random.randint(k1, (B, T), 0, VOCAB)
    targets = jax.random.randint(k2, (B, T), 0, VOCAB)
    # nn.Embedding(vocab_size, vocab_size) weight, N(0,1) init like torch default
    table = jax.random.normal(k3, (VOCAB, VOCAB), dtype=jnp.float32)
    return {"table": table, "idx": idx, "targets": targets}


def reference(table, idx, targets):
    # logits = self.token_embedding_table(idx)  -> gather rows
    logits = jnp.take(table, idx, axis=0)  # [B, T, C]
    Bq, Tq, C = logits.shape
    # targets is not None -> view + cross entropy
    logits2 = logits.reshape(Bq * Tq, C)
    t = targets.reshape(Bq * Tq)
    logp = jax.nn.log_softmax(logits2, axis=-1)
    nll = -jnp.take_along_axis(logp, t[:, None], axis=1)[:, 0]
    loss = jnp.mean(nll)
    return (logits2, loss)

if __name__ == "__main__":
    import jax
    _d = setup_inputs()
    print(jax.jit(kernel)(*tuple(_d.values())))

</pallas_src>

<mosaic_0001>
#map = affine_map<(d0, d1) -> (0, 0)>
#map1 = affine_map<(d0, d1) -> (0)>
module attributes {stable_mosaic.version = 14 : i64} {
  func.func @k(%arg0: i32, %arg1: i32, %arg2: memref<4096x4096xf32, #tpu.memory_space<hbm>>, %arg3: memref<16384xi32, #tpu.memory_space<hbm>>, %arg4: memref<16384xi32, #tpu.memory_space<hbm>>, %arg5: memref<16384x4096xf32, #tpu.memory_space<hbm>>, %arg6: memref<32x16xf32, #tpu.memory_space<hbm>>, %arg7: memref<512xi32, #tpu.memory_space<vmem>>, %arg8: memref<528xi32, #tpu.memory_space<vmem>>, %arg9: memref<16xf32, #tpu.memory_space<vmem>>, %arg10: memref<8x4096xf32, #tpu.memory_space<vmem>>, %arg11: memref<8x4096xf32, #tpu.memory_space<vmem>>, %arg12: memref<!tpu.dma_semaphore, #tpu.memory_space<semaphore_mem>>, %arg13: memref<!tpu.dma_semaphore, #tpu.memory_space<semaphore_mem>>) attributes {dimension_semantics = [#tpu.dimension_semantics<core_parallel>, #tpu.dimension_semantics<subcore_parallel>], iteration_bounds = array<i64: 2, 16>, scalar_prefetch = 0 : i64, scratch_operands = 7 : i64, tpu.core_type = #tpu.core_type<sc_vector_subcore>, window_params = [{transform_indices = #map}, {transform_indices = #map1}, {transform_indices = #map1}, {transform_indices = #map}, {transform_indices = #map}]} {
    %mul3A = arith.constant 2 : i32
    %mul3A_0 = arith.muli %arg1, %mul3A : i32
    %add3A = arith.addi %mul3A_0, %arg0 : i32
    %mul3A_1 = arith.constant 512 : i32
    %mul3A_2 = arith.muli %add3A, %mul3A_1 : i32
    "tpu.region"() ({
      %run_scoped3A = tpu.sem_alloc : memref<!tpu.dma_semaphore, #tpu.memory_space<semaphore_mem>>
      %dma_start3A = tpu.memref_slice %arg3[%mul3A_2] : memref<16384xi32, #tpu.memory_space<hbm>> -> memref<512xi32, #tpu.memory_space<hbm>>
      %dma_start3A_11 = tpu.memref_slice %arg3[%mul3A_2] : memref<16384xi32, #tpu.memory_space<hbm>> -> memref<512xi32, #tpu.memory_space<hbm>>
      tpu.enqueue_dma source(%dma_start3A_11 : memref<512xi32, #tpu.memory_space<hbm>>) target(%arg7 : memref<512xi32, #tpu.memory_space<vmem>>) target_semaphore(%run_scoped3A : memref<!tpu.dma_semaphore, #tpu.memory_space<semaphore_mem>>)
      %dma_wait3A = tpu.memref_slice %arg3[%mul3A_2] : memref<16384xi32, #tpu.memory_space<hbm>> -> memref<512xi32, #tpu.memory_space<hbm>>
      %dma_wait3A_12 = tpu.memref_slice %arg3[%mul3A_2] : memref<16384xi32, #tpu.memory_space<hbm>> -> memref<512xi32, #tpu.memory_space<hbm>>
      tpu.wait_dma2 semaphore(%run_scoped3A : memref<!tpu.dma_semaphore, #tpu.memory_space<semaphore_mem>>) src(%dma_wait3A_12 : memref<512xi32, #tpu.memory_space<hbm>>) dst(%arg7 : memref<512xi32, #tpu.memory_space<vmem>>)
      tpu.yield
    }) : () -> ()
    "tpu.region"() ({
      %run_scoped3A = tpu.sem_alloc : memref<!tpu.dma_semaphore, #tpu.memory_space<semaphore_mem>>
      %dma_start3A = arith.constant 0 : i32
      %dma_start3A_11 = tpu.memref_slice %arg8[%dma_start3A] : memref<528xi32, #tpu.memory_space<vmem>> -> memref<512xi32, #tpu.memory_space<vmem>>
      %dma_start3A_12 = tpu.memref_slice %arg4[%mul3A_2] : memref<16384xi32, #tpu.memory_space<hbm>> -> memref<512xi32, #tpu.memory_space<hbm>>
      %dma_start3A_13 = arith.constant 0 : i32
      %dma_start3A_14 = tpu.memref_slice %arg8[%dma_start3A_13] : memref<528xi32, #tpu.memory_space<vmem>> -> memref<512xi32, #tpu.memory_space<vmem>>
      %dma_start3A_15 = tpu.memref_slice %arg4[%mul3A_2] : memref<16384xi32, #tpu.memory_space<hbm>> -> memref<512xi32, #tpu.memory_space<hbm>>
      tpu.enqueue_dma source(%dma_start3A_15 : memref<512xi32, #tpu.memory_space<hbm>>) target(%dma_start3A_14 : memref<512xi32, #tpu.memory_space<vmem>>) target_semaphore(%run_scoped3A : memref<!tpu.dma_semaphore, #tpu.memory_space<semaphore_mem>>)
      %dma_wait3A = arith.constant 0 : i32
      %dma_wait3A_16 = tpu.memref_slice %arg8[%dma_wait3A] : memref<528xi32, #tpu.memory_space<vmem>> -> memref<512xi32, #tpu.memory_space<vmem>>
      %dma_wait3A_17 = tpu.memref_slice %arg4[%mul3A_2] : memref<16384xi32, #tpu.memory_space<hbm>> -> memref<512xi32, #tpu.memory_space<hbm>>
      %dma_wait3A_18 = arith.constant 0 : i32
      %dma_wait3A_19 = tpu.memref_slice %arg8[%dma_wait3A_18] : memref<528xi32, #tpu.memory_space<vmem>> -> memref<512xi32, #tpu.memory_space<vmem>>
      %dma_wait3A_20 = tpu.memref_slice %arg4[%mul3A_2] : memref<16384xi32, #tpu.memory_space<hbm>> -> memref<512xi32, #tpu.memory_space<hbm>>
      tpu.wait_dma2 semaphore(%run_scoped3A : memref<!tpu.dma_semaphore, #tpu.memory_space<semaphore_mem>>) src(%dma_wait3A_20 : memref<512xi32, #tpu.memory_space<hbm>>) dst(%dma_wait3A_19 : memref<512xi32, #tpu.memory_space<vmem>>)
      tpu.yield
    }) : () -> ()
    %broadcast_in_dim3A = arith.constant 0.000000e+00 : f32
    %broadcast_in_dim3A_3 = vector.broadcast %broadcast_in_dim3A : f32 to vector<16xf32>
    %swap3A = arith.constant 0 : index
    %swap3A_4 = tpu.vector_load %arg9[%swap3A] {strides = array<i32>} : memref<16xf32, #tpu.memory_space<vmem>>, vector<16xf32>,
    %swap3A_5 = vector.shape_cast %swap3A_4 : vector<16xf32> to vector<16xf32>
    %swap3A_6 = vector.shape_cast %broadcast_in_dim3A_3 : vector<16xf32> to vector<16xf32>
    tpu.vector_store %arg9[%swap3A], %swap3A_6 {strides = array<i32>} : memref<16xf32, #tpu.memory_space<vmem>>, vector<16xf32>,
    %iota3A = tpu.iota {dimensions = array<i32: 0>} : vector<16xi32>
    %scan3A = arith.constant 0 : i32
    %scan3A_7 = arith.constant 32 : i32
    %scan3A_8 = arith.addi %scan3A, %scan3A_7 : i32
    %scan3A_9 = arith.constant 1 : i32
    scf.for %scan3A_11 = %scan3A to %scan3A_8 step %scan3A_9  : i32 {
      %mul3A_12 = arith.constant 2 : i32
      %mul3A_13 = arith.muli %scan3A_11, %mul3A_12 : i32
      %add3A_14 = arith.constant 0 : i32
      %add3A_15 = arith.addi %add3A_14, %mul3A_13 : i32
      %mul3A_16 = arith.constant 8 : i32
      %mul3A_17 = arith.muli %add3A_15, %mul3A_16 : i32
      %dma_start3A = tpu.memref_slice %arg7[%mul3A_17] : memref<512xi32, #tpu.memory_space<vmem>> -> memref<8xi32, #tpu.memory_space<vmem>>
      %dma_start3A_18 = arith.constant 0 : i32
      %dma_start3A_19 = arith.constant 0 : i32
      %dma_start3A_20 = tpu.memref_slice %arg2[%dma_start3A_18, %dma_start3A_19] : memref<4096x4096xf32, #tpu.memory_space<hbm>> -> memref<4096x4096xf32, #tpu.memory_space<hbm>>
      tpu.enqueue_indirect_dma source(%dma_start3A_20 : memref<4096x4096xf32, #tpu.memory_space<hbm>>) target(%arg10 : memref<8x4096xf32, #tpu.memory_space<vmem>>) offsets(%dma_start3A : memref<8xi32, #tpu.memory_space<vmem>>) semaphore(%arg12 : memref<!tpu.dma_semaphore, #tpu.memory_space<semaphore_mem>>)
      %add3A_21 = arith.constant 1 : i32
      %add3A_22 = arith.addi %add3A_15, %add3A_21 : i32
      %mul3A_23 = arith.constant 8 : i32
      %mul3A_24 = arith.muli %add3A_22, %mul3A_23 : i32
      %dma_start3A_25 = tpu.memref_slice %arg7[%mul3A_24] : memref<512xi32, #tpu.memory_space<vmem>> -> memref<8xi32, #tpu.memory_space<vmem>>
      %dma_start3A_26 = arith.constant 0 : i32
      %dma_start3A_27 = arith.constant 0 : i32
      %dma_start3A_28 = tpu.memref_slice %arg2[%dma_start3A_26, %dma_start3A_27] : memref<4096x4096xf32, #tpu.memory_space<hbm>> -> memref<4096x4096xf32, #tpu.memory_space<hbm>>
      tpu.enqueue_indirect_dma source(%dma_start3A_28 : memref<4096x4096xf32, #tpu.memory_space<hbm>>) target(%arg11 : memref<8x4096xf32, #tpu.memory_space<vmem>>) offsets(%dma_start3A_25 : memref<8xi32, #tpu.memory_space<vmem>>) semaphore(%arg13 : memref<!tpu.dma_semaphore, #tpu.memory_space<semaphore_mem>>)
      %dma_wait3A = tpu.memref_slice %arg7[%mul3A_17] : memref<512xi32, #tpu.memory_space<vmem>> -> memref<8xi32, #tpu.memory_space<vmem>>
      %dma_wait3A_29 = arith.constant 0 : i32
      %dma_wait3A_30 = arith.constant 0 : i32
      %dma_wait3A_31 = tpu.memref_slice %arg2[%dma_wait3A_29, %dma_wait3A_30] : memref<4096x4096xf32, #tpu.memory_space<hbm>> -> memref<4096x4096xf32, #tpu.memory_space<hbm>>
      tpu.wait_indirect_dma semaphore(%arg12 : memref<!tpu.dma_semaphore, #tpu.memory_space<semaphore_mem>>) src(%dma_wait3A_31 : memref<4096x4096xf32, #tpu.memory_space<hbm>>) dst(%arg10 : memref<8x4096xf32, #tpu.memory_space<vmem>>)
      %mul3A_32 = arith.constant 8 : i32
      %mul3A_33 = arith.muli %add3A_15, %mul3A_32 : i32
      %get3A = arith.index_cast %mul3A_33 : i32 to index
      %get3A_34 = tpu.vector_load %arg8[%get3A] {strides = array<i32>} : memref<528xi32, #tpu.memory_space<vmem>>, vector<16xi32>,
      %get3A_35 = vector.shape_cast %get3A_34 : vector<16xi32> to vector<16xi32>
      %slice3A = vector.extract_strided_slice %get3A_35 {offsets = [0], sizes = [1], strides = [1]} : vector<16xi32> to vector<1xi32>
      %squeeze3A = vector.extract %slice3A[0] : i32 from vector<1xi32>
      %jit3A = arith.constant 16 : i32
      %div3A = arith.divsi %squeeze3A, %jit3A : i32
      %sign3A = arith.constant 0 : i32
      %sign3A_36 = arith.cmpi sgt, %squeeze3A, %sign3A : i32
      %sign3A_37 = arith.extui %sign3A_36 : i1 to i32
      %sign3A_38 = arith.constant 0 : i32
      %sign3A_39 = arith.cmpi slt, %squeeze3A, %sign3A_38 : i32
      %sign3A_40 = arith.extui %sign3A_39 : i1 to i32
      %sign3A_41 = arith.subi %sign3A_37, %sign3A_40 : i32
      %sign3A_42 = arith.constant 0 : i32
      %sign3A_43 = arith.cmpi sgt, %jit3A, %sign3A_42 : i32
      %sign3A_44 = arith.extui %sign3A_43 : i1 to i32
      %sign3A_45 = arith.constant 0 : i32
      %sign3A_46 = arith.cmpi slt, %jit3A, %sign3A_45 : i32
      %sign3A_47 = arith.extui %sign3A_46 : i1 to i32
      %sign3A_48 = arith.subi %sign3A_44, %sign3A_47 : i32
      %ne3A = arith.cmpi ne, %sign3A_41, %sign3A_48 : i32
      %rem3A = arith.remsi %squeeze3A, %jit3A : i32
      %ne3A_49 = arith.constant 0 : i32
      %ne3A_50 = arith.cmpi ne, %rem3A, %ne3A_49 : i32
      %and3A = arith.andi %ne3A, %ne3A_50 : i1
      %sub3A = arith.constant 1 : i32
      %sub3A_51 = arith.subi %div3A, %sub3A : i32
      %select_n3A = arith.select %and3A, %sub3A_51, %div3A : i32
      %mul3A_52 = arith.constant 16 : i32
      %mul3A_53 = arith.muli %select_n3A, %mul3A_52 : i32
      %multiple_of3A = tpu.assume_multiple %mul3A_53, 16 : i32
      %get3A_54 = arith.constant 0 : i32
      %get3A_55 = arith.index_cast %get3A_54 : i32 to index
      %get3A_56 = arith.index_cast %multiple_of3A : i32 to index
      %get3A_57 = tpu.vector_load %arg10[%get3A_55, %get3A_56] {strides = array<i32>} : memref<8x4096xf32, #tpu.memory_space<vmem>>, vector<1x16xf32>,
      %get3A_58 = vector.shape_cast %get3A_57 : vector<1x16xf32> to vector<16xf32>
      %sub3A_59 = arith.subi %squeeze3A, %multiple_of3A : i32
      %eq3A = vector.broadcast %sub3A_59 : i32 to vector<16xi32>
      %eq3A_60 = arith.cmpi eq, %iota3A, %eq3A : vector<16xi32>
      %broadcast_in_dim3A_61 = arith.constant 0.000000e+00 : f32
      %broadcast_in_dim3A_62 = vector.broadcast %broadcast_in_dim3A_61 : f32 to vector<16xf32>
      %select_n3A_63 = arith.select %eq3A_60, %get3A_58, %broadcast_in_dim3A_62 : vector<16xi1>, vector<16xf32>
      %get3A_64 = arith.constant 0 : index
      %get3A_65 = tpu.vector_load %arg9[%get3A_64] {strides = array<i32>} : memref<16xf32, #tpu.memory_space<vmem>>, vector<16xf32>,
      %get3A_66 = vector.shape_cast %get3A_65 : vector<16xf32> to vector<16xf32>
      %add3A_67 = arith.addf %get3A_66, %select_n3A_63 : vector<16xf32>
      %swap3A_68 = arith.constant 0 : index
      %swap3A_69 = tpu.vector_load %arg9[%swap3A_68] {strides = array<i32>} : memref<16xf32, #tpu.memory_space<vmem>>, vector<16xf32>,
      %swap3A_70 = vector.shape_cast %swap3A_69 : vector<16xf32> to vector<16xf32>
      %swap3A_71 = vector.shape_cast %add3A_67 : vector<16xf32> to vector<16xf32>
      tpu.vector_store %arg9[%swap3A_68], %swap3A_71 {strides = array<i32>} : memref<16xf32, #tpu.memory_space<vmem>>, vector<16xf32>,
      %slice3A_72 = vector.extract_strided_slice %get3A_35 {offsets = [1], sizes = [1], strides = [1]} : vector<16xi32> to vector<1xi32>
      %squeeze3A_73 = vector.extract %slice3A_72[0] : i32 from vector<1xi32>
      %jit3A_74 = arith.constant 16 : i32
      %div3A_75 = arith.divsi %squeeze3A_73, %jit3A_74 : i32
      %sign3A_76 = arith.constant 0 : i32
      %sign3A_77 = arith.cmpi sgt, %squeeze3A_73, %sign3A_76 : i32
      %sign3A_78 = arith.extui %sign3A_77 : i1 to i32
      %sign3A_79 = arith.constant 0 : i32
      %sign3A_80 = arith.cmpi slt, %squeeze3A_73, %sign3A_79 : i32
      %sign3A_81 = arith.extui %sign3A_80 : i1 to i32
      %sign3A_82 = arith.subi %sign3A_78, %sign3A_81 : i32
      %sign3A_83 = arith.constant 0 : i32
      %sign3A_84 = arith.cmpi sgt, %jit3A_74, %sign3A_83 : i32
      %sign3A_85 = arith.extui %sign3A_84 : i1 to i32
      %sign3A_86 = arith.constant 0 : i32
      %sign3A_87 = arith.cmpi slt, %jit3A_74, %sign3A_86 : i32
      %sign3A_88 = arith.extui %sign3A_87 : i1 to i32
      %sign3A_89 = arith.subi %sign3A_85, %sign3A_88 : i32
      %ne3A_90 = arith.cmpi ne, %sign3A_82, %sign3A_89 : i32
      %rem3A_91 = arith.remsi %squeeze3A_73, %jit3A_74 : i32
      %ne3A_92 = arith.constant 0 : i32
      %ne3A_93 = arith.cmpi ne, %rem3A_91, %ne3A_92 : i32
      %and3A_94 = arith.andi %ne3A_90, %ne3A_93 : i1
      %sub3A_95 = arith.constant 1 : i32
      %sub3A_96 = arith.subi %div3A_75, %sub3A_95 : i32
      %select_n3A_97 = arith.select %and3A_94, %sub3A_96, %div3A_75 : i32
      %mul3A_98 = arith.constant 16 : i32
      %mul3A_99 = arith.muli %select_n3A_97, %mul3A_98 : i32
      %multiple_of3A_100 = tpu.assume_multiple %mul3A_99, 16 : i32
      %get3A_101 = arith.constant 1 : i32
      %get3A_102 = arith.index_cast %get3A_101 : i32 to index
      %get3A_103 = arith.index_cast %multiple_of3A_100 : i32 to index
      %get3A_104 = tpu.vector_load %arg10[%get3A_102, %get3A_103] {strides = array<i32>} : memref<8x4096xf32, #tpu.memory_space<vmem>>, vector<1x16xf32>,
      %get3A_105 = vector.shape_cast %get3A_104 : vector<1x16xf32> to vector<16xf32>
      %sub3A_106 = arith.subi %squeeze3A_73, %multiple_of3A_100 : i32
      %eq3A_107 = vector.broadcast %sub3A_106 : i32 to vector<16xi32>
      %eq3A_108 = arith.cmpi eq, %iota3A, %eq3A_107 : vector<16xi32>
      %broadcast_in_dim3A_109 = arith.constant 0.000000e+00 : f32
      %broadcast_in_dim3A_110 = vector.broadcast %broadcast_in_dim3A_109 : f32 to vector<16xf32>
      %select_n3A_111 = arith.select %eq3A_108, %get3A_105, %broadcast_in_dim3A_110 : vector<16xi1>, vector<16xf32>
      %get3A_112 = arith.constant 0 : index
      %get3A_113 = tpu.vector_load %arg9[%get3A_112] {strides = array<i32>} : memref<16xf32, #tpu.memory_space<vmem>>, vector<16xf32>,
      %get3A_114 = vector.shape_cast %get3A_113 : vector<16xf32> to vector<16xf32>
      %add3A_115 = arith.addf %get3A_114, %select_n3A_111 : vector<16xf32>
      %swap3A_116 = arith.constant 0 : index
      %swap3A_117 = tpu.vector_load %arg9[%swap3A_116] {strides = array<i32>} : memref<16xf32, #tpu.memory_space<vmem>>, vector<16xf32>,
      %swap3A_118 = vector.shape_cast %swap3A_117 : vector<16xf32> to vector<16xf32>
      %swap3A_119 = vector.shape_cast %add3A_115 : vector<16xf32> to vector<16xf32>
      tpu.vector_store %arg9[%swap3A_116], %swap3A_119 {strides = array<i32>} : memref<16xf32, #tpu.memory_space<vmem>>, vector<16xf32>,
      %slice3A_120 = vector.extract_strided_slice %get3A_35 {offsets = [2], sizes = [1], strides = [1]} : vector<16xi32> to vector<1xi32>
      %squeeze3A_121 = vector.extract %slice3A_120[0] : i32 from vector<1xi32>
      %jit3A_122 = arith.constant 16 : i32
      %div3A_123 = arith.divsi %squeeze3A_121, %jit3A_122 : i32
      %sign3A_124 = arith.constant 0 : i32
      %sign3A_125 = arith.cmpi sgt, %squeeze3A_121, %sign3A_124 : i32
      %sign3A_126 = arith.extui %sign3A_125 : i1 to i32
      %sign3A_127 = arith.constant 0 : i32
      %sign3A_128 = arith.cmpi slt, %squeeze3A_121, %sign3A_127 : i32
      %sign3A_129 = arith.extui %sign3A_128 : i1 to i32
      %sign3A_130 = arith.subi %sign3A_126, %sign3A_129 : i32
      %sign3A_131 = arith.constant 0 : i32
      %sign3A_132 = arith.cmpi sgt, %jit3A_122, %sign3A_131 : i32
      %sign3A_133 = arith.extui %sign3A_132 : i1 to i32
      %sign3A_134 = arith.constant 0 : i32
      %sign3A_135 = arith.cmpi slt, %jit3A_122, %sign3A_134 : i32
      %sign3A_136 = arith.extui %sign3A_135 : i1 to i32
      %sign3A_137 = arith.subi %sign3A_133, %sign3A_136 : i32
      %ne3A_138 = arith.cmpi ne, %sign3A_130, %sign3A_137 : i32
      %rem3A_139 = arith.remsi %squeeze3A_121, %jit3A_122 : i32
      %ne3A_140 = arith.constant 0 : i32
      %ne3A_141 = arith.cmpi ne, %rem3A_139, %ne3A_140 : i32
      %and3A_142 = arith.andi %ne3A_138, %ne3A_141 : i1
      %sub3A_143 = arith.constant 1 : i32
      %sub3A_144 = arith.subi %div3A_123, %sub3A_143 : i32
      %select_n3A_145 = arith.select %and3A_142, %sub3A_144, %div3A_123 : i32
      %mul3A_146 = arith.constant 16 : i32
      %mul3A_147 = arith.muli %select_n3A_145, %mul3A_146 : i32
      %multiple_of3A_148 = tpu.assume_multiple %mul3A_147, 16 : i32
      %get3A_149 = arith.constant 2 : i32
      %get3A_150 = arith.index_cast %get3A_149 : i32 to index
      %get3A_151 = arith.index_cast %multiple_of3A_148 : i32 to index
      %get3A_152 = tpu.vector_load %arg10[%get3A_150, %get3A_151] {strides = array<i32>} : memref<8x4096xf32, #tpu.memory_space<vmem>>, vector<1x16xf32>,
      %get3A_153 = vector.shape_cast %get3A_152 : vector<1x16xf32> to vector<16xf32>
      %sub3A_154 = arith.subi %squeeze3A_121, %multiple_of3A_148 : i32
      %eq3A_155 = vector.broadcast %sub3A_154 : i32 to vector<16xi32>
      %eq3A_156 = arith.cmpi eq, %iota3A, %eq3A_155 : vector<16xi32>
      %broadcast_in_dim3A_157 = arith.constant 0.000000e+00 : f32
      %broadcast_in_dim3A_158 = vector.broadcast %broadcast_in_dim3A_157 : f32 to vector<16xf32>
      %select_n3A_159 = arith.select %eq3A_156, %get3A_153, %broadcast_in_dim3A_158 : vector<16xi1>, vector<16xf32>
      %get3A_160 = arith.constant 0 : index
      %get3A_161 = tpu.vector_load %arg9[%get3A_160] {strides = array<i32>} : memref<16xf32, #tpu.memory_space<vmem>>, vector<16xf32>,
      %get3A_162 = vector.shape_cast %get3A_161 : vector<16xf32> to vector<16xf32>
      %add3A_163 = arith.addf %get3A_162, %select_n3A_159 : vector<16xf32>
      %swap3A_164 = arith.constant 0 : index
      %swap3A_165 = tpu.vector_load %arg9[%swap3A_164] {strides = array<i32>} : memref<16xf32, #tpu.memory_space<vmem>>, vector<16xf32>,
      %swap3A_166 = vector.shape_cast %swap3A_165 : vector<16xf32> to vector<16xf32>
      %swap3A_167 = vector.shape_cast %add3A_163 : vector<16xf32> to vector<16xf32>
      tpu.vector_store %arg9[%swap3A_164], %swap3A_167 {strides = array<i32>} : memref<16xf32, #tpu.memory_space<vmem>>, vector<16xf32>,
      %slice3A_168 = vector.extract_strided_slice %get3A_35 {offsets = [3], sizes = [1], strides = [1]} : vector<16xi32> to vector<1xi32>
      %squeeze3A_169 = vector.extract %slice3A_168[0] : i32 from vector<1xi32>
      %jit3A_170 = arith.constant 16 : i32
      %div3A_171 = arith.divsi %squeeze3A_169, %jit3A_170 : i32
      %sign3A_172 = arith.constant 0 : i32
      %sign3A_173 = arith.cmpi sgt, %squeeze3A_169, %sign3A_172 : i32
      %sign3A_174 = arith.extui %sign3A_173 : i1 to i32
      %sign3A_175 = arith.constant 0 : i32
      %sign3A_176 = arith.cmpi slt, %squeeze3A_169, %sign3A_175 : i32
      %sign3A_177 = arith.extui %sign3A_176 : i1 to i32
      %sign3A_178 = arith.subi %sign3A_174, %sign3A_177 : i32
      %sign3A_179 = arith.constant 0 : i32
      %sign3A_180 = arith.cmpi sgt, %jit3A_170, %sign3A_179 : i32
      %sign3A_181 = arith.extui %sign3A_180 : i1 to i32
      %sign3A_182 = arith.constant 0 : i32
      %sign3A_183 = arith.cmpi slt, %jit3A_170, %sign3A_182 : i32
      %sign3A_184 = arith.extui %sign3A_183 : i1 to i32
      %sign3A_185 = arith.subi %sign3A_181, %sign3A_184 : i32
      %ne3A_186 = arith.cmpi ne, %sign3A_178, %sign3A_185 : i32
      %rem3A_187 = arith.remsi %squeeze3A_169, %jit3A_170 : i32
      %ne3A_188 = arith.constant 0 : i32
      %ne3A_189 = arith.cmpi ne, %rem3A_187, %ne3A_188 : i32
      %and3A_190 = arith.andi %ne3A_186, %ne3A_189 : i1
      %sub3A_191 = arith.constant 1 : i32
      %sub3A_192 = arith.subi %div3A_171, %sub3A_191 : i32
      %select_n3A_193 = arith.select %and3A_190, %sub3A_192, %div3A_171 : i32
      %mul3A_194 = arith.constant 16 : i32
      %mul3A_195 = arith.muli %select_n3A_193, %mul3A_194 : i32
      %multiple_of3A_196 = tpu.assume_multiple %mul3A_195, 16 : i32
      %get3A_197 = arith.constant 3 : i32
      %get3A_198 = arith.index_cast %get3A_197 : i32 to index
      %get3A_199 = arith.index_cast %multiple_of3A_196 : i32 to index
      %get3A_200 = tpu.vector_load %arg10[%get3A_198, %get3A_199] {strides = array<i32>} : memref<8x4096xf32, #tpu.memory_space<vmem>>, vector<1x16xf32>,
      %get3A_201 = vector.shape_cast %get3A_200 : vector<1x16xf32> to vector<16xf32>
      %sub3A_202 = arith.subi %squeeze3A_169, %multiple_of3A_196 : i32
      %eq3A_203 = vector.broadcast %sub3A_202 : i32 to vector<16xi32>
      %eq3A_204 = arith.cmpi eq, %iota3A, %eq3A_203 : vector<16xi32>
      %broadcast_in_dim3A_205 = arith.constant 0.000000e+00 : f32
      %broadcast_in_dim3A_206 = vector.broadcast %broadcast_in_dim3A_205 : f32 to vector<16xf32>
      %select_n3A_207 = arith.select %eq3A_204, %get3A_201, %broadcast_in_dim3A_206 : vector<16xi1>, vector<16xf32>
      %get3A_208 = arith.constant 0 : index
      %get3A_209 = tpu.vector_load %arg9[%get3A_208] {strides = array<i32>} : memref<16xf32, #tpu.memory_space<vmem>>, vector<16xf32>,
      %get3A_210 = vector.shape_cast %get3A_209 : vector<16xf32> to vector<16xf32>
      %add3A_211 = arith.addf %get3A_210, %select_n3A_207 : vector<16xf32>
      %swap3A_212 = arith.constant 0 : index
      %swap3A_213 = tpu.vector_load %arg9[%swap3A_212] {strides = array<i32>} : memref<16xf32, #tpu.memory_space<vmem>>, vector<16xf32>,
      %swap3A_214 = vector.shape_cast %swap3A_213 : vector<16xf32> to vector<16xf32>
      %swap3A_215 = vector.shape_cast %add3A_211 : vector<16xf32> to vector<16xf32>
      tpu.vector_store %arg9[%swap3A_212], %swap3A_215 {strides = array<i32>} : memref<16xf32, #tpu.memory_space<vmem>>, vector<16xf32>,
      %slice3A_216 = vector.extract_strided_slice %get3A_35 {offsets = [4], sizes = [1], strides = [1]} : vector<16xi32> to vector<1xi32>
      %squeeze3A_217 = vector.extract %slice3A_216[0] : i32 from vector<1xi32>
      %jit3A_218 = arith.constant 16 : i32
      %div3A_219 = arith.divsi %squeeze3A_217, %jit3A_218 : i32
      %sign3A_220 = arith.constant 0 : i32
      %sign3A_221 = arith.cmpi sgt, %squeeze3A_217, %sign3A_220 : i32
      %sign3A_222 = arith.extui %sign3A_221 : i1 to i32
      %sign3A_223 = arith.constant 0 : i32
      %sign3A_224 = arith.cmpi slt, %squeeze3A_217, %sign3A_223 : i32
      %sign3A_225 = arith.extui %sign3A_224 : i1 to i32
      %sign3A_226 = arith.subi %sign3A_222, %sign3A_225 : i32
      %sign3A_227 = arith.constant 0 : i32
      %sign3A_228 = arith.cmpi sgt, %jit3A_218, %sign3A_227 : i32
      %sign3A_229 = arith.extui %sign3A_228 : i1 to i32
      %sign3A_230 = arith.constant 0 : i32
      %sign3A_231 = arith.cmpi slt, %jit3A_218, %sign3A_230 : i32
      %sign3A_232 = arith.extui %sign3A_231 : i1 to i32
      %sign3A_233 = arith.subi %sign3A_229, %sign3A_232 : i32
      %ne3A_234 = arith.cmpi ne, %sign3A_226, %sign3A_233 : i32
      %rem3A_235 = arith.remsi %squeeze3A_217, %jit3A_218 : i32
      %ne3A_236 = arith.constant 0 : i32
      %ne3A_237 = arith.cmpi ne, %rem3A_235, %ne3A_236 : i32
      %and3A_238 = arith.andi %ne3A_234, %ne3A_237 : i1
      %sub3A_239 = arith.constant 1 : i32
      %sub3A_240 = arith.subi %div3A_219, %sub3A_239 : i32
      %select_n3A_241 = arith.select %and3A_238, %sub3A_240, %div3A_219 : i32
      %mul3A_242 = arith.constant 16 : i32
      %mul3A_243 = arith.muli %select_n3A_241, %mul3A_242 : i32
      %multiple_of3A_244 = tpu.assume_multiple %mul3A_243, 16 : i32
      %get3A_245 = arith.constant 4 : i32
      %get3A_246 = arith.index_cast %get3A_245 : i32 to index
      %get3A_247 = arith.index_cast %multiple_of3A_244 : i32 to index
      %get3A_248 = tpu.vector_load %arg10[%get3A_246, %get3A_247] {strides = array<i32>} : memref<8x4096xf32, #tpu.memory_space<vmem>>, vector<1x16xf32>,
      %get3A_249 = vector.shape_cast %get3A_248 : vector<1x16xf32> to vector<16xf32>
      %sub3A_250 = arith.subi %squeeze3A_217, %multiple_of3A_244 : i32
      %eq3A_251 = vector.broadcast %sub3A_250 : i32 to vector<16xi32>
      %eq3A_252 = arith.cmpi eq, %iota3A, %eq3A_251 : vector<16xi32>
      %broadcast_in_dim3A_253 = arith.constant 0.000000e+00 : f32
      %broadcast_in_dim3A_254 = vector.broadcast %broadcast_in_dim3A_253 : f32 to vector<16xf32>
      %select_n3A_255 = arith.select %eq3A_252, %get3A_249, %broadcast_in_dim3A_254 : vector<16xi1>, vector<16xf32>
      %get3A_256 = arith.constant 0 : index
      %get3A_257 = tpu.vector_load %arg9[%get3A_256] {strides = array<i32>} : memref<16xf32, #tpu.memory_space<vmem>>, vector<16xf32>,
      %get3A_258 = vector.shape_cast %get3A_257 : vector<16xf32> to vector<16xf32>
      %add3A_259 = arith.addf %get3A_258, %select_n3A_255 : vector<16xf32>
      %swap3A_260 = arith.constant 0 : index
      %swap3A_261 = tpu.vector_load %arg9[%swap3A_260] {strides = array<i32>} : memref<16xf32, #tpu.memory_space<vmem>>, vector<16xf32>,
      %swap3A_262 = vector.shape_cast %swap3A_261 : vector<16xf32> to vector<16xf32>
      %swap3A_263 = vector.shape_cast %add3A_259 : vector<16xf32> to vector<16xf32>
      tpu.vector_store %arg9[%swap3A_260], %swap3A_263 {strides = array<i32>} : memref<16xf32, #tpu.memory_space<vmem>>, vector<16xf32>,
      %slice3A_264 = vector.extract_strided_slice %get3A_35 {offsets = [5], sizes = [1], strides = [1]} : vector<16xi32> to vector<1xi32>
      %squeeze3A_265 = vector.extract %slice3A_264[0] : i32 from vector<1xi32>
      %jit3A_266 = arith.constant 16 : i32
      %div3A_267 = arith.divsi %squeeze3A_265, %jit3A_266 : i32
      %sign3A_268 = arith.constant 0 : i32
      %sign3A_269 = arith.cmpi sgt, %squeeze3A_265, %sign3A_268 : i32
      %sign3A_270 = arith.extui %sign3A_269 : i1 to i32
      %sign3A_271 = arith.constant 0 : i32
      %sign3A_272 = arith.cmpi slt, %squeeze3A_265, %sign3A_271 : i32
      %sign3A_273 = arith.extui %sign3A_272 : i1 to i32
      %sign3A_274 = arith.subi %sign3A_270, %sign3A_273 : i32
      %sign3A_275 = arith.constant 0 : i32
      %sign3A_276 = arith.cmpi sgt, %jit3A_266, %sign3A_275 : i32
      %sign3A_277 = arith.extui %sign3A_276 : i1 to i32
      %sign3A_278 = arith.constant 0 : i32
      %sign3A_279 = arith.cmpi slt, %jit3A_266, %sign3A_278 : i32
      %sign3A_280 = arith.extui %sign3A_279 : i1 to i32
      %sign3A_281 = arith.subi %sign3A_277, %sign3A_280 : i32
      %ne3A_282 = arith.cmpi ne, %sign3A_274, %sign3A_281 : i32
      %rem3A_283 = arith.remsi %squeeze3A_265, %jit3A_266 : i32
      %ne3A_284 = arith.constant 0 : i32
      %ne3A_285 = arith.cmpi ne, %rem3A_283, %ne3A_284 : i32
      %and3A_286 = arith.andi %ne3A_282, %ne3A_285 : i1
      %sub3A_287 = arith.constant 1 : i32
      %sub3A_288 = arith.subi %div3A_267, %sub3A_287 : i32
      %select_n3A_289 = arith.select %and3A_286, %sub3A_288, %div3A_267 : i32
      %mul3A_290 = arith.constant 16 : i32
      %mul3A_291 = arith.muli %select_n3A_289, %mul3A_290 : i32
      %multiple_of3A_292 = tpu.assume_multiple %mul3A_291, 16 : i32
      %get3A_293 = arith.constant 5 : i32
      %get3A_294 = arith.index_cast %get3A_293 : i32 to index
      %get3A_295 = arith.index_cast %multiple_of3A_292 : i32 to index
      %get3A_296 = tpu.vector_load %arg10[%get3A_294, %get3A_295] {strides = array<i32>} : memref<8x4096xf32, #tpu.memory_space<vmem>>, vector<1x16xf32>,
      %get3A_297 = vector.shape_cast %get3A_296 : vector<1x16xf32> to vector<16xf32>
      %sub3A_298 = arith.subi %squeeze3A_265, %multiple_of3A_292 : i32
      %eq3A_299 = vector.broadcast %sub3A_298 : i32 to vector<16xi32>
      %eq3A_300 = arith.cmpi eq, %iota3A, %eq3A_299 : vector<16xi32>
      %broadcast_in_dim3A_301 = arith.constant 0.000000e+00 : f32
      %broadcast_in_dim3A_302 = vector.broadcast %broadcast_in_dim3A_301 : f32 to vector<16xf32>
      %select_n3A_303 = arith.select %eq3A_300, %get3A_297, %broadcast_in_dim3A_302 : vector<16xi1>, vector<16xf32>
      %get3A_304 = arith.constant 0 : index
      %get3A_305 = tpu.vector_load %arg9[%get3A_304] {strides = array<i32>} : memref<16xf32, #tpu.memory_space<vmem>>, vector<16xf32>,
      %get3A_306 = vector.shape_cast %get3A_305 : vector<16xf32> to vector<16xf32>
      %add3A_307 = arith.addf %get3A_306, %select_n3A_303 : vector<16xf32>
      %swap3A_308 = arith.constant 0 : index
      %swap3A_309 = tpu.vector_load %arg9[%swap3A_308] {strides = array<i32>} : memref<16xf32, #tpu.memory_space<vmem>>, vector<16xf32>,
      %swap3A_310 = vector.shape_cast %swap3A_309 : vector<16xf32> to vector<16xf32>
      %swap3A_311 = vector.shape_cast %add3A_307 : vector<16xf32> to vector<16xf32>
      tpu.vector_store %arg9[%swap3A_308], %swap3A_311 {strides = array<i32>} : memref<16xf32, #tpu.memory_space<vmem>>, vector<16xf32>,
      %slice3A_312 = vector.extract_strided_slice %get3A_35 {offsets = [6], sizes = [1], strides = [1]} : vector<16xi32> to vector<1xi32>
      %squeeze3A_313 = vector.extract %slice3A_312[0] : i32 from vector<1xi32>
      %jit3A_314 = arith.constant 16 : i32
      %div3A_315 = arith.divsi %squeeze3A_313, %jit3A_314 : i32
      %sign3A_316 = arith.constant 0 : i32
      %sign3A_317 = arith.cmpi sgt, %squeeze3A_313, %sign3A_316 : i32
      %sign3A_318 = arith.extui %sign3A_317 : i1 to i32
      %sign3A_319 = arith.constant 0 : i32
      %sign3A_320 = arith.cmpi slt, %squeeze3A_313, %sign3A_319 : i32
      %sign3A_321 = arith.extui %sign3A_320 : i1 to i32
      %sign3A_322 = arith.subi %sign3A_318, %sign3A_321 : i32
      %sign3A_323 = arith.constant 0 : i32
      %sign3A_324 = arith.cmpi sgt, %jit3A_314, %sign3A_323 : i32
      %sign3A_325 = arith.extui %sign3A_324 : i1 to i32
      %sign3A_326 = arith.constant 0 : i32
      %sign3A_327 = arith.cmpi slt, %jit3A_314, %sign3A_326 : i32
      %sign3A_328 = arith.extui %sign3A_327 : i1 to i32
      %sign3A_329 = arith.subi %sign3A_325, %sign3A_328 : i32
      %ne3A_330 = arith.cmpi ne, %sign3A_322, %sign3A_329 : i32
      %rem3A_331 = arith.remsi %squeeze3A_313, %jit3A_314 : i32
      %ne3A_332 = arith.constant 0 : i32
      %ne3A_333 = arith.cmpi ne, %rem3A_331, %ne3A_332 : i32
      %and3A_334 = arith.andi %ne3A_330, %ne3A_333 : i1
      %sub3A_335 = arith.constant 1 : i32
      %sub3A_336 = arith.subi %div3A_315, %sub3A_335 : i32
      %select_n3A_337 = arith.select %and3A_334, %sub3A_336, %div3A_315 : i32
      %mul3A_338 = arith.constant 16 : i32
      %mul3A_339 = arith.muli %select_n3A_337, %mul3A_338 : i32
      %multiple_of3A_340 = tpu.assume_multiple %mul3A_339, 16 : i32
      %get3A_341 = arith.constant 6 : i32
      %get3A_342 = arith.index_cast %get3A_341 : i32 to index
      %get3A_343 = arith.index_cast %multiple_of3A_340 : i32 to index
      %get3A_344 = tpu.vector_load %arg10[%get3A_342, %get3A_343] {strides = array<i32>} : memref<8x4096xf32, #tpu.memory_space<vmem>>, vector<1x16xf32>,
      %get3A_345 = vector.shape_cast %get3A_344 : vector<1x16xf32> to vector<16xf32>
      %sub3A_346 = arith.subi %squeeze3A_313, %multiple_of3A_340 : i32
      %eq3A_347 = vector.broadcast %sub3A_346 : i32 to vector<16xi32>
      %eq3A_348 = arith.cmpi eq, %iota3A, %eq3A_347 : vector<16xi32>
      %broadcast_in_dim3A_349 = arith.constant 0.000000e+00 : f32
      %broadcast_in_dim3A_350 = vector.broadcast %broadcast_in_dim3A_349 : f32 to vector<16xf32>
      %select_n3A_351 = arith.select %eq3A_348, %get3A_345, %broadcast_in_dim3A_350 : vector<16xi1>, vector<16xf32>
      %get3A_352 = arith.constant 0 : index
      %get3A_353 = tpu.vector_load %arg9[%get3A_352] {strides = array<i32>} : memref<16xf32, #tpu.memory_space<vmem>>, vector<16xf32>,
      %get3A_354 = vector.shape_cast %get3A_353 : vector<16xf32> to vector<16xf32>
      %add3A_355 = arith.addf %get3A_354, %select_n3A_351 : vector<16xf32>
      %swap3A_356 = arith.constant 0 : index
      %swap3A_357 = tpu.vector_load %arg9[%swap3A_356] {strides = array<i32>} : memref<16xf32, #tpu.memory_space<vmem>>, vector<16xf32>,
      %swap3A_358 = vector.shape_cast %swap3A_357 : vector<16xf32> to vector<16xf32>
      %swap3A_359 = vector.shape_cast %add3A_355 : vector<16xf32> to vector<16xf32>
      tpu.vector_store %arg9[%swap3A_356], %swap3A_359 {strides = array<i32>} : memref<16xf32, #tpu.memory_space<vmem>>, vector<16xf32>,
      %slice3A_360 = vector.extract_strided_slice %get3A_35 {offsets = [7], sizes = [1], strides = [1]} : vector<16xi32> to vector<1xi32>
      %squeeze3A_361 = vector.extract %slice3A_360[0] : i32 from vector<1xi32>
      %jit3A_362 = arith.constant 16 : i32
      %div3A_363 = arith.divsi %squeeze3A_361, %jit3A_362 : i32
      %sign3A_364 = arith.constant 0 : i32
      %sign3A_365 = arith.cmpi sgt, %squeeze3A_361, %sign3A_364 : i32
      %sign3A_366 = arith.extui %sign3A_365 : i1 to i32
      %sign3A_367 = arith.constant 0 : i32
      %sign3A_368 = arith.cmpi slt, %squeeze3A_361, %sign3A_367 : i32
      %sign3A_369 = arith.extui %sign3A_368 : i1 to i32
      %sign3A_370 = arith.subi %sign3A_366, %sign3A_369 : i32
      %sign3A_371 = arith.constant 0 : i32
      %sign3A_372 = arith.cmpi sgt, %jit3A_362, %sign3A_371 : i32
      %sign3A_373 = arith.extui %sign3A_372 : i1 to i32
      %sign3A_374 = arith.constant 0 : i32
      %sign3A_375 = arith.cmpi slt, %jit3A_362, %sign3A_374 : i32
      %sign3A_376 = arith.extui %sign3A_375 : i1 to i32
      %sign3A_377 = arith.subi %sign3A_373, %sign3A_376 : i32
      %ne3A_378 = arith.cmpi ne, %sign3A_370, %sign3A_377 : i32
      %rem3A_379 = arith.remsi %squeeze3A_361, %jit3A_362 : i32
      %ne3A_380 = arith.constant 0 : i32
      %ne3A_381 = arith.cmpi ne, %rem3A_379, %ne3A_380 : i32
      %and3A_382 = arith.andi %ne3A_378, %ne3A_381 : i1
      %sub3A_383 = arith.constant 1 : i32
      %sub3A_384 = arith.subi %div3A_363, %sub3A_383 : i32
      %select_n3A_385 = arith.select %and3A_382, %sub3A_384, %div3A_363 : i32
      %mul3A_386 = arith.constant 16 : i32
      %mul3A_387 = arith.muli %select_n3A_385, %mul3A_386 : i32
      %multiple_of3A_388 = tpu.assume_multiple %mul3A_387, 16 : i32
      %get3A_389 = arith.constant 7 : i32
      %get3A_390 = arith.index_cast %get3A_389 : i32 to index
      %get3A_391 = arith.index_cast %multiple_of3A_388 : i32 to index
      %get3A_392 = tpu.vector_load %arg10[%get3A_390, %get3A_391] {strides = array<i32>} : memref<8x4096xf32, #tpu.memory_space<vmem>>, vector<1x16xf32>,
      %get3A_393 = vector.shape_cast %get3A_392 : vector<1x16xf32> to vector<16xf32>
      %sub3A_394 = arith.subi %squeeze3A_361, %multiple_of3A_388 : i32
      %eq3A_395 = vector.broadcast %sub3A_394 : i32 to vector<16xi32>
      %eq3A_396 = arith.cmpi eq, %iota3A, %eq3A_395 : vector<16xi32>
      %broadcast_in_dim3A_397 = arith.constant 0.000000e+00 : f32
      %broadcast_in_dim3A_398 = vector.broadcast %broadcast_in_dim3A_397 : f32 to vector<16xf32>
      %select_n3A_399 = arith.select %eq3A_396, %get3A_393, %broadcast_in_dim3A_398 : vector<16xi1>, vector<16xf32>
      %get3A_400 = arith.constant 0 : index
      %get3A_401 = tpu.vector_load %arg9[%get3A_400] {strides = array<i32>} : memref<16xf32, #tpu.memory_space<vmem>>, vector<16xf32>,
      %get3A_402 = vector.shape_cast %get3A_401 : vector<16xf32> to vector<16xf32>
      %add3A_403 = arith.addf %get3A_402, %select_n3A_399 : vector<16xf32>
      %swap3A_404 = arith.constant 0 : index
      %swap3A_405 = tpu.vector_load %arg9[%swap3A_404] {strides = array<i32>} : memref<16xf32, #tpu.memory_space<vmem>>, vector<16xf32>,
      %swap3A_406 = vector.shape_cast %swap3A_405 : vector<16xf32> to vector<16xf32>
      %swap3A_407 = vector.shape_cast %add3A_403 : vector<16xf32> to vector<16xf32>
      tpu.vector_store %arg9[%swap3A_404], %swap3A_407 {strides = array<i32>} : memref<16xf32, #tpu.memory_space<vmem>>, vector<16xf32>,
      %mul3A_408 = arith.constant 8 : i32
      %mul3A_409 = arith.muli %add3A_15, %mul3A_408 : i32
      %add3A_410 = arith.addi %mul3A_2, %mul3A_409 : i32
      "tpu.region"() ({
        %run_scoped3A = tpu.sem_alloc : memref<!tpu.dma_semaphore, #tpu.memory_space<semaphore_mem>>
        %dma_start3A_811 = arith.constant 0 : i32
        %dma_start3A_812 = tpu.memref_slice %arg5[%add3A_410, %dma_start3A_811] : memref<16384x4096xf32, #tpu.memory_space<hbm>> -> memref<8x4096xf32, #tpu.memory_space<hbm>>
        %dma_start3A_813 = arith.constant 0 : i32
        %dma_start3A_814 = tpu.memref_slice %arg5[%add3A_410, %dma_start3A_813] : memref<16384x4096xf32, #tpu.memory_space<hbm>> -> memref<8x4096xf32, #tpu.memory_space<hbm>>
        tpu.enqueue_dma source(%arg10 : memref<8x4096xf32, #tpu.memory_space<vmem>>) target(%dma_start3A_814 : memref<8x4096xf32, #tpu.memory_space<hbm>>) target_semaphore(%run_scoped3A : memref<!tpu.dma_semaphore, #tpu.memory_space<semaphore_mem>>)
        %dma_wait3A_815 = arith.constant 0 : i32
        %dma_wait3A_816 = tpu.memref_slice %arg5[%add3A_410, %dma_wait3A_815] : memref<16384x4096xf32, #tpu.memory_space<hbm>> -> memref<8x4096xf32, #tpu.memory_space<hbm>>
        %dma_wait3A_817 = arith.constant 0 : i32
        %dma_wait3A_818 = tpu.memref_slice %arg5[%add3A_410, %dma_wait3A_817] : memref<16384x4096xf32, #tpu.memory_space<hbm>> -> memref<8x4096xf32, #tpu.memory_space<hbm>>
        tpu.wait_dma2 semaphore(%run_scoped3A : memref<!tpu.dma_semaphore, #tpu.memory_space<semaphore_mem>>) src(%arg10 : memref<8x4096xf32, #tpu.memory_space<vmem>>) dst(%dma_wait3A_818 : memref<8x4096xf32, #tpu.memory_space<hbm>>)
        tpu.yield
      }) : () -> ()
      %dma_wait3A_411 = tpu.memref_slice %arg7[%mul3A_24] : memref<512xi32, #tpu.memory_space<vmem>> -> memref<8xi32, #tpu.memory_space<vmem>>
      %dma_wait3A_412 = arith.constant 0 : i32
      %dma_wait3A_413 = arith.constant 0 : i32
      %dma_wait3A_414 = tpu.memref_slice %arg2[%dma_wait3A_412, %dma_wait3A_413] : memref<4096x4096xf32, #tpu.memory_space<hbm>> -> memref<4096x4096xf32, #tpu.memory_space<hbm>>
      tpu.wait_indirect_dma semaphore(%arg13 : memref<!tpu.dma_semaphore, #tpu.memory_space<semaphore_mem>>) src(%dma_wait3A_414 : memref<4096x4096xf32, #tpu.memory_space<hbm>>) dst(%arg11 : memref<8x4096xf32, #tpu.memory_space<vmem>>)
      %add3A_415 = arith.constant 1 : i32
      %add3A_416 = arith.addi %add3A_15, %add3A_415 : i32
      %mul3A_417 = arith.constant 8 : i32
      %mul3A_418 = arith.muli %add3A_416, %mul3A_417 : i32
      %get3A_419 = arith.index_cast %mul3A_418 : i32 to index
      %get3A_420 = tpu.vector_load %arg8[%get3A_419] {strides = array<i32>} : memref<528xi32, #tpu.memory_space<vmem>>, vector<16xi32>,
      %get3A_421 = vector.shape_cast %get3A_420 : vector<16xi32> to vector<16xi32>
      %slice3A_422 = vector.extract_strided_slice %get3A_421 {offsets = [0], sizes = [1], strides = [1]} : vector<16xi32> to vector<1xi32>
      %squeeze3A_423 = vector.extract %slice3A_422[0] : i32 from vector<1xi32>
      %jit3A_424 = arith.constant 16 : i32
      %div3A_425 = arith.divsi %squeeze3A_423, %jit3A_424 : i32
      %sign3A_426 = arith.constant 0 : i32
      %sign3A_427 = arith.cmpi sgt, %squeeze3A_423, %sign3A_426 : i32
      %sign3A_428 = arith.extui %sign3A_427 : i1 to i32
      %sign3A_429 = arith.constant 0 : i32
      %sign3A_430 = arith.cmpi slt, %squeeze3A_423, %sign3A_429 : i32
      %sign3A_431 = arith.extui %sign3A_430 : i1 to i32
      %sign3A_432 = arith.subi %sign3A_428, %sign3A_431 : i32
      %sign3A_433 = arith.constant 0 : i32
      %sign3A_434 = arith.cmpi sgt, %jit3A_424, %sign3A_433 : i32
      %sign3A_435 = arith.extui %sign3A_434 : i1 to i32
      %sign3A_436 = arith.constant 0 : i32
      %sign3A_437 = arith.cmpi slt, %jit3A_424, %sign3A_436 : i32
      %sign3A_438 = arith.extui %sign3A_437 : i1 to i32
      %sign3A_439 = arith.subi %sign3A_435, %sign3A_438 : i32
      %ne3A_440 = arith.cmpi ne, %sign3A_432, %sign3A_439 : i32
      %rem3A_441 = arith.remsi %squeeze3A_423, %jit3A_424 : i32
      %ne3A_442 = arith.constant 0 : i32
      %ne3A_443 = arith.cmpi ne, %rem3A_441, %ne3A_442 : i32
      %and3A_444 = arith.andi %ne3A_440, %ne3A_443 : i1
      %sub3A_445 = arith.constant 1 : i32
      %sub3A_446 = arith.subi %div3A_425, %sub3A_445 : i32
      %select_n3A_447 = arith.select %and3A_444, %sub3A_446, %div3A_425 : i32
      %mul3A_448 = arith.constant 16 : i32
      %mul3A_449 = arith.muli %select_n3A_447, %mul3A_448 : i32
      %multiple_of3A_450 = tpu.assume_multiple %mul3A_449, 16 : i32
      %get3A_451 = arith.constant 0 : i32
      %get3A_452 = arith.index_cast %get3A_451 : i32 to index
      %get3A_453 = arith.index_cast %multiple_of3A_450 : i32 to index
      %get3A_454 = tpu.vector_load %arg11[%get3A_452, %get3A_453] {strides = array<i32>} : memref<8x4096xf32, #tpu.memory_space<vmem>>, vector<1x16xf32>,
      %get3A_455 = vector.shape_cast %get3A_454 : vector<1x16xf32> to vector<16xf32>
      %sub3A_456 = arith.subi %squeeze3A_423, %multiple_of3A_450 : i32
      %eq3A_457 = vector.broadcast %sub3A_456 : i32 to vector<16xi32>
      %eq3A_458 = arith.cmpi eq, %iota3A, %eq3A_457 : vector<16xi32>
      %broadcast_in_dim3A_459 = arith.constant 0.000000e+00 : f32
      %broadcast_in_dim3A_460 = vector.broadcast %broadcast_in_dim3A_459 : f32 to vector<16xf32>
      %select_n3A_461 = arith.select %eq3A_458, %get3A_455, %broadcast_in_dim3A_460 : vector<16xi1>, vector<16xf32>
      %get3A_462 = arith.constant 0 : index
      %get3A_463 = tpu.vector_load %arg9[%get3A_462] {strides = array<i32>} : memref<16xf32, #tpu.memory_space<vmem>>, vector<16xf32>,
      %get3A_464 = vector.shape_cast %get3A_463 : vector<16xf32> to vector<16xf32>
      %add3A_465 = arith.addf %get3A_464, %select_n3A_461 : vector<16xf32>
      %swap3A_466 = arith.constant 0 : index
      %swap3A_467 = tpu.vector_load %arg9[%swap3A_466] {strides = array<i32>} : memref<16xf32, #tpu.memory_space<vmem>>, vector<16xf32>,
      %swap3A_468 = vector.shape_cast %swap3A_467 : vector<16xf32> to vector<16xf32>
      %swap3A_469 = vector.shape_cast %add3A_465 : vector<16xf32> to vector<16xf32>
      tpu.vector_store %arg9[%swap3A_466], %swap3A_469 {strides = array<i32>} : memref<16xf32, #tpu.memory_space<vmem>>, vector<16xf32>,
      %slice3A_470 = vector.extract_strided_slice %get3A_421 {offsets = [1], sizes = [1], strides = [1]} : vector<16xi32> to vector<1xi32>
      %squeeze3A_471 = vector.extract %slice3A_470[0] : i32 from vector<1xi32>
      %jit3A_472 = arith.constant 16 : i32
      %div3A_473 = arith.divsi %squeeze3A_471, %jit3A_472 : i32
      %sign3A_474 = arith.constant 0 : i32
      %sign3A_475 = arith.cmpi sgt, %squeeze3A_471, %sign3A_474 : i32
      %sign3A_476 = arith.extui %sign3A_475 : i1 to i32
      %sign3A_477 = arith.constant 0 : i32
      %sign3A_478 = arith.cmpi slt, %squeeze3A_471, %sign3A_477 : i32
      %sign3A_479 = arith.extui %sign3A_478 : i1 to i32
      %sign3A_480 = arith.subi %sign3A_476, %sign3A_479 : i32
      %sign3A_481 = arith.constant 0 : i32
      %sign3A_482 = arith.cmpi sgt, %jit3A_472, %sign3A_481 : i32
      %sign3A_483 = arith.extui %sign3A_482 : i1 to i32
      %sign3A_484 = arith.constant 0 : i32
      %sign3A_485 = arith.cmpi slt, %jit3A_472, %sign3A_484 : i32
      %sign3A_486 = arith.extui %sign3A_485 : i1 to i32
      %sign3A_487 = arith.subi %sign3A_483, %sign3A_486 : i32
      %ne3A_488 = arith.cmpi ne, %sign3A_480, %sign3A_487 : i32
      %rem3A_489 = arith.remsi %squeeze3A_471, %jit3A_472 : i32
      %ne3A_490 = arith.constant 0 : i32
      %ne3A_491 = arith.cmpi ne, %rem3A_489, %ne3A_490 : i32
      %and3A_492 = arith.andi %ne3A_488, %ne3A_491 : i1
      %sub3A_493 = arith.constant 1 : i32
      %sub3A_494 = arith.subi %div3A_473, %sub3A_493 : i32
      %select_n3A_495 = arith.select %and3A_492, %sub3A_494, %div3A_473 : i32
      %mul3A_496 = arith.constant 16 : i32
      %mul3A_497 = arith.muli %select_n3A_495, %mul3A_496 : i32
      %multiple_of3A_498 = tpu.assume_multiple %mul3A_497, 16 : i32
      %get3A_499 = arith.constant 1 : i32
      %get3A_500 = arith.index_cast %get3A_499 : i32 to index
      %get3A_501 = arith.index_cast %multiple_of3A_498 : i32 to index
      %get3A_502 = tpu.vector_load %arg11[%get3A_500, %get3A_501] {strides = array<i32>} : memref<8x4096xf32, #tpu.memory_space<vmem>>, vector<1x16xf32>,
      %get3A_503 = vector.shape_cast %get3A_502 : vector<1x16xf32> to vector<16xf32>
      %sub3A_504 = arith.subi %squeeze3A_471, %multiple_of3A_498 : i32
      %eq3A_505 = vector.broadcast %sub3A_504 : i32 to vector<16xi32>
      %eq3A_506 = arith.cmpi eq, %iota3A, %eq3A_505 : vector<16xi32>
      %broadcast_in_dim3A_507 = arith.constant 0.000000e+00 : f32
      %broadcast_in_dim3A_508 = vector.broadcast %broadcast_in_dim3A_507 : f32 to vector<16xf32>
      %select_n3A_509 = arith.select %eq3A_506, %get3A_503, %broadcast_in_dim3A_508 : vector<16xi1>, vector<16xf32>
      %get3A_510 = arith.constant 0 : index
      %get3A_511 = tpu.vector_load %arg9[%get3A_510] {strides = array<i32>} : memref<16xf32, #tpu.memory_space<vmem>>, vector<16xf32>,
      %get3A_512 = vector.shape_cast %get3A_511 : vector<16xf32> to vector<16xf32>
      %add3A_513 = arith.addf %get3A_512, %select_n3A_509 : vector<16xf32>
      %swap3A_514 = arith.constant 0 : index
      %swap3A_515 = tpu.vector_load %arg9[%swap3A_514] {strides = array<i32>} : memref<16xf32, #tpu.memory_space<vmem>>, vector<16xf32>,
      %swap3A_516 = vector.shape_cast %swap3A_515 : vector<16xf32> to vector<16xf32>
      %swap3A_517 = vector.shape_cast %add3A_513 : vector<16xf32> to vector<16xf32>
      tpu.vector_store %arg9[%swap3A_514], %swap3A_517 {strides = array<i32>} : memref<16xf32, #tpu.memory_space<vmem>>, vector<16xf32>,
      %slice3A_518 = vector.extract_strided_slice %get3A_421 {offsets = [2], sizes = [1], strides = [1]} : vector<16xi32> to vector<1xi32>
      %squeeze3A_519 = vector.extract %slice3A_518[0] : i32 from vector<1xi32>
      %jit3A_520 = arith.constant 16 : i32
      %div3A_521 = arith.divsi %squeeze3A_519, %jit3A_520 : i32
      %sign3A_522 = arith.constant 0 : i32
      %sign3A_523 = arith.cmpi sgt, %squeeze3A_519, %sign3A_522 : i32
      %sign3A_524 = arith.extui %sign3A_523 : i1 to i32
      %sign3A_525 = arith.constant 0 : i32
      %sign3A_526 = arith.cmpi slt, %squeeze3A_519, %sign3A_525 : i32
      %sign3A_527 = arith.extui %sign3A_526 : i1 to i32
      %sign3A_528 = arith.subi %sign3A_524, %sign3A_527 : i32
      %sign3A_529 = arith.constant 0 : i32
      %sign3A_530 = arith.cmpi sgt, %jit3A_520, %sign3A_529 : i32
      %sign3A_531 = arith.extui %sign3A_530 : i1 to i32
      %sign3A_532 = arith.constant 0 : i32
      %sign3A_533 = arith.cmpi slt, %jit3A_520, %sign3A_532 : i32
      %sign3A_534 = arith.extui %sign3A_533 : i1 to i32
      %sign3A_535 = arith.subi %sign3A_531, %sign3A_534 : i32
      %ne3A_536 = arith.cmpi ne, %sign3A_528, %sign3A_535 : i32
      %rem3A_537 = arith.remsi %squeeze3A_519, %jit3A_520 : i32
      %ne3A_538 = arith.constant 0 : i32
      %ne3A_539 = arith.cmpi ne, %rem3A_537, %ne3A_538 : i32
      %and3A_540 = arith.andi %ne3A_536, %ne3A_539 : i1
      %sub3A_541 = arith.constant 1 : i32
      %sub3A_542 = arith.subi %div3A_521, %sub3A_541 : i32
      %select_n3A_543 = arith.select %and3A_540, %sub3A_542, %div3A_521 : i32
      %mul3A_544 = arith.constant 16 : i32
      %mul3A_545 = arith.muli %select_n3A_543, %mul3A_544 : i32
      %multiple_of3A_546 = tpu.assume_multiple %mul3A_545, 16 : i32
      %get3A_547 = arith.constant 2 : i32
      %get3A_548 = arith.index_cast %get3A_547 : i32 to index
      %get3A_549 = arith.index_cast %multiple_of3A_546 : i32 to index
      %get3A_550 = tpu.vector_load %arg11[%get3A_548, %get3A_549] {strides = array<i32>} : memref<8x4096xf32, #tpu.memory_space<vmem>>, vector<1x16xf32>,
      %get3A_551 = vector.shape_cast %get3A_550 : vector<1x16xf32> to vector<16xf32>
      %sub3A_552 = arith.subi %squeeze3A_519, %multiple_of3A_546 : i32
      %eq3A_553 = vector.broadcast %sub3A_552 : i32 to vector<16xi32>
      %eq3A_554 = arith.cmpi eq, %iota3A, %eq3A_553 : vector<16xi32>
      %broadcast_in_dim3A_555 = arith.constant 0.000000e+00 : f32
      %broadcast_in_dim3A_556 = vector.broadcast %broadcast_in_dim3A_555 : f32 to vector<16xf32>
      %select_n3A_557 = arith.select %eq3A_554, %get3A_551, %broadcast_in_dim3A_556 : vector<16xi1>, vector<16xf32>
      %get3A_558 = arith.constant 0 : index
      %get3A_559 = tpu.vector_load %arg9[%get3A_558] {strides = array<i32>} : memref<16xf32, #tpu.memory_space<vmem>>, vector<16xf32>,
      %get3A_560 = vector.shape_cast %get3A_559 : vector<16xf32> to vector<16xf32>
      %add3A_561 = arith.addf %get3A_560, %select_n3A_557 : vector<16xf32>
      %swap3A_562 = arith.constant 0 : index
      %swap3A_563 = tpu.vector_load %arg9[%swap3A_562] {strides = array<i32>} : memref<16xf32, #tpu.memory_space<vmem>>, vector<16xf32>,
      %swap3A_564 = vector.shape_cast %swap3A_563 : vector<16xf32> to vector<16xf32>
      %swap3A_565 = vector.shape_cast %add3A_561 : vector<16xf32> to vector<16xf32>
      tpu.vector_store %arg9[%swap3A_562], %swap3A_565 {strides = array<i32>} : memref<16xf32, #tpu.memory_space<vmem>>, vector<16xf32>,
      %slice3A_566 = vector.extract_strided_slice %get3A_421 {offsets = [3], sizes = [1], strides = [1]} : vector<16xi32> to vector<1xi32>
      %squeeze3A_567 = vector.extract %slice3A_566[0] : i32 from vector<1xi32>
      %jit3A_568 = arith.constant 16 : i32
      %div3A_569 = arith.divsi %squeeze3A_567, %jit3A_568 : i32
      %sign3A_570 = arith.constant 0 : i32
      %sign3A_571 = arith.cmpi sgt, %squeeze3A_567, %sign3A_570 : i32
      %sign3A_572 = arith.extui %sign3A_571 : i1 to i32
      %sign3A_573 = arith.constant 0 : i32
      %sign3A_574 = arith.cmpi slt, %squeeze3A_567, %sign3A_573 : i32
      %sign3A_575 = arith.extui %sign3A_574 : i1 to i32
      %sign3A_576 = arith.subi %sign3A_572, %sign3A_575 : i32
      %sign3A_577 = arith.constant 0 : i32
      %sign3A_578 = arith.cmpi sgt, %jit3A_568, %sign3A_577 : i32
      %sign3A_579 = arith.extui %sign3A_578 : i1 to i32
      %sign3A_580 = arith.constant 0 : i32
      %sign3A_581 = arith.cmpi slt, %jit3A_568, %sign3A_580 : i32
      %sign3A_582 = arith.extui %sign3A_581 : i1 to i32
      %sign3A_583 = arith.subi %sign3A_579, %sign3A_582 : i32
      %ne3A_584 = arith.cmpi ne, %sign3A_576, %sign3A_583 : i32
      %rem3A_585 = arith.remsi %squeeze3A_567, %jit3A_568 : i32
      %ne3A_586 = arith.constant 0 : i32
      %ne3A_587 = arith.cmpi ne, %rem3A_585, %ne3A_586 : i32
      %and3A_588 = arith.andi %ne3A_584, %ne3A_587 : i1
      %sub3A_589 = arith.constant 1 : i32
      %sub3A_590 = arith.subi %div3A_569, %sub3A_589 : i32
      %select_n3A_591 = arith.select %and3A_588, %sub3A_590, %div3A_569 : i32
      %mul3A_592 = arith.constant 16 : i32
      %mul3A_593 = arith.muli %select_n3A_591, %mul3A_592 : i32
      %multiple_of3A_594 = tpu.assume_multiple %mul3A_593, 16 : i32
      %get3A_595 = arith.constant 3 : i32
      %get3A_596 = arith.index_cast %get3A_595 : i32 to index
      %get3A_597 = arith.index_cast %multiple_of3A_594 : i32 to index
      %get3A_598 = tpu.vector_load %arg11[%get3A_596, %get3A_597] {strides = array<i32>} : memref<8x4096xf32, #tpu.memory_space<vmem>>, vector<1x16xf32>,
      %get3A_599 = vector.shape_cast %get3A_598 : vector<1x16xf32> to vector<16xf32>
      %sub3A_600 = arith.subi %squeeze3A_567, %multiple_of3A_594 : i32
      %eq3A_601 = vector.broadcast %sub3A_600 : i32 to vector<16xi32>
      %eq3A_602 = arith.cmpi eq, %iota3A, %eq3A_601 : vector<16xi32>
      %broadcast_in_dim3A_603 = arith.constant 0.000000e+00 : f32
      %broadcast_in_dim3A_604 = vector.broadcast %broadcast_in_dim3A_603 : f32 to vector<16xf32>
      %select_n3A_605 = arith.select %eq3A_602, %get3A_599, %broadcast_in_dim3A_604 : vector<16xi1>, vector<16xf32>
      %get3A_606 = arith.constant 0 : index
      %get3A_607 = tpu.vector_load %arg9[%get3A_606] {strides = array<i32>} : memref<16xf32, #tpu.memory_space<vmem>>, vector<16xf32>,
      %get3A_608 = vector.shape_cast %get3A_607 : vector<16xf32> to vector<16xf32>
      %add3A_609 = arith.addf %get3A_608, %select_n3A_605 : vector<16xf32>
      %swap3A_610 = arith.constant 0 : index
      %swap3A_611 = tpu.vector_load %arg9[%swap3A_610] {strides = array<i32>} : memref<16xf32, #tpu.memory_space<vmem>>, vector<16xf32>,
      %swap3A_612 = vector.shape_cast %swap3A_611 : vector<16xf32> to vector<16xf32>
      %swap3A_613 = vector.shape_cast %add3A_609 : vector<16xf32> to vector<16xf32>
      tpu.vector_store %arg9[%swap3A_610], %swap3A_613 {strides = array<i32>} : memref<16xf32, #tpu.memory_space<vmem>>, vector<16xf32>,
      %slice3A_614 = vector.extract_strided_slice %get3A_421 {offsets = [4], sizes = [1], strides = [1]} : vector<16xi32> to vector<1xi32>
      %squeeze3A_615 = vector.extract %slice3A_614[0] : i32 from vector<1xi32>
      %jit3A_616 = arith.constant 16 : i32
      %div3A_617 = arith.divsi %squeeze3A_615, %jit3A_616 : i32
      %sign3A_618 = arith.constant 0 : i32
      %sign3A_619 = arith.cmpi sgt, %squeeze3A_615, %sign3A_618 : i32
      %sign3A_620 = arith.extui %sign3A_619 : i1 to i32
      %sign3A_621 = arith.constant 0 : i32
      %sign3A_622 = arith.cmpi slt, %squeeze3A_615, %sign3A_621 : i32
      %sign3A_623 = arith.extui %sign3A_622 : i1 to i32
      %sign3A_624 = arith.subi %sign3A_620, %sign3A_623 : i32
      %sign3A_625 = arith.constant 0 : i32
      %sign3A_626 = arith.cmpi sgt, %jit3A_616, %sign3A_625 : i32
      %sign3A_627 = arith.extui %sign3A_626 : i1 to i32
      %sign3A_628 = arith.constant 0 : i32
      %sign3A_629 = arith.cmpi slt, %jit3A_616, %sign3A_628 : i32
      %sign3A_630 = arith.extui %sign3A_629 : i1 to i32
      %sign3A_631 = arith.subi %sign3A_627, %sign3A_630 : i32
      %ne3A_632 = arith.cmpi ne, %sign3A_624, %sign3A_631 : i32
      %rem3A_633 = arith.remsi %squeeze3A_615, %jit3A_616 : i32
      %ne3A_634 = arith.constant 0 : i32
      %ne3A_635 = arith.cmpi ne, %rem3A_633, %ne3A_634 : i32
      %and3A_636 = arith.andi %ne3A_632, %ne3A_635 : i1
      %sub3A_637 = arith.constant 1 : i32
      %sub3A_638 = arith.subi %div3A_617, %sub3A_637 : i32
      %select_n3A_639 = arith.select %and3A_636, %sub3A_638, %div3A_617 : i32
      %mul3A_640 = arith.constant 16 : i32
      %mul3A_641 = arith.muli %select_n3A_639, %mul3A_640 : i32
      %multiple_of3A_642 = tpu.assume_multiple %mul3A_641, 16 : i32
      %get3A_643 = arith.constant 4 : i32
      %get3A_644 = arith.index_cast %get3A_643 : i32 to index
      %get3A_645 = arith.index_cast %multiple_of3A_642 : i32 to index
      %get3A_646 = tpu.vector_load %arg11[%get3A_644, %get3A_645] {strides = array<i32>} : memref<8x4096xf32, #tpu.memory_space<vmem>>, vector<1x16xf32>,
      %get3A_647 = vector.shape_cast %get3A_646 : vector<1x16xf32> to vector<16xf32>
      %sub3A_648 = arith.subi %squeeze3A_615, %multiple_of3A_642 : i32
      %eq3A_649 = vector.broadcast %sub3A_648 : i32 to vector<16xi32>
      %eq3A_650 = arith.cmpi eq, %iota3A, %eq3A_649 : vector<16xi32>
      %broadcast_in_dim3A_651 = arith.constant 0.000000e+00 : f32
      %broadcast_in_dim3A_652 = vector.broadcast %broadcast_in_dim3A_651 : f32 to vector<16xf32>
      %select_n3A_653 = arith.select %eq3A_650, %get3A_647, %broadcast_in_dim3A_652 : vector<16xi1>, vector<16xf32>
      %get3A_654 = arith.constant 0 : index
      %get3A_655 = tpu.vector_load %arg9[%get3A_654] {strides = array<i32>} : memref<16xf32, #tpu.memory_space<vmem>>, vector<16xf32>,
      %get3A_656 = vector.shape_cast %get3A_655 : vector<16xf32> to vector<16xf32>
      %add3A_657 = arith.addf %get3A_656, %select_n3A_653 : vector<16xf32>
      %swap3A_658 = arith.constant 0 : index
      %swap3A_659 = tpu.vector_load %arg9[%swap3A_658] {strides = array<i32>} : memref<16xf32, #tpu.memory_space<vmem>>, vector<16xf32>,
      %swap3A_660 = vector.shape_cast %swap3A_659 : vector<16xf32> to vector<16xf32>
      %swap3A_661 = vector.shape_cast %add3A_657 : vector<16xf32> to vector<16xf32>
      tpu.vector_store %arg9[%swap3A_658], %swap3A_661 {strides = array<i32>} : memref<16xf32, #tpu.memory_space<vmem>>, vector<16xf32>,
      %slice3A_662 = vector.extract_strided_slice %get3A_421 {offsets = [5], sizes = [1], strides = [1]} : vector<16xi32> to vector<1xi32>
      %squeeze3A_663 = vector.extract %slice3A_662[0] : i32 from vector<1xi32>
      %jit3A_664 = arith.constant 16 : i32
      %div3A_665 = arith.divsi %squeeze3A_663, %jit3A_664 : i32
      %sign3A_666 = arith.constant 0 : i32
      %sign3A_667 = arith.cmpi sgt, %squeeze3A_663, %sign3A_666 : i32
      %sign3A_668 = arith.extui %sign3A_667 : i1 to i32
      %sign3A_669 = arith.constant 0 : i32
      %sign3A_670 = arith.cmpi slt, %squeeze3A_663, %sign3A_669 : i32
      %sign3A_671 = arith.extui %sign3A_670 : i1 to i32
      %sign3A_672 = arith.subi %sign3A_668, %sign3A_671 : i32
      %sign3A_673 = arith.constant 0 : i32
      %sign3A_674 = arith.cmpi sgt, %jit3A_664, %sign3A_673 : i32
      %sign3A_675 = arith.extui %sign3A_674 : i1 to i32
      %sign3A_676 = arith.constant 0 : i32
      %sign3A_677 = arith.cmpi slt, %jit3A_664, %sign3A_676 : i32
      %sign3A_678 = arith.extui %sign3A_677 : i1 to i32
      %sign3A_679 = arith.subi %sign3A_675, %sign3A_678 : i32
      %ne3A_680 = arith.cmpi ne, %sign3A_672, %sign3A_679 : i32
      %rem3A_681 = arith.remsi %squeeze3A_663, %jit3A_664 : i32
      %ne3A_682 = arith.constant 0 : i32
      %ne3A_683 = arith.cmpi ne, %rem3A_681, %ne3A_682 : i32
      %and3A_684 = arith.andi %ne3A_680, %ne3A_683 : i1
      %sub3A_685 = arith.constant 1 : i32
      %sub3A_686 = arith.subi %div3A_665, %sub3A_685 : i32
      %select_n3A_687 = arith.select %and3A_684, %sub3A_686, %div3A_665 : i32
      %mul3A_688 = arith.constant 16 : i32
      %mul3A_689 = arith.muli %select_n3A_687, %mul3A_688 : i32
      %multiple_of3A_690 = tpu.assume_multiple %mul3A_689, 16 : i32
      %get3A_691 = arith.constant 5 : i32
      %get3A_692 = arith.index_cast %get3A_691 : i32 to index
      %get3A_693 = arith.index_cast %multiple_of3A_690 : i32 to index
      %get3A_694 = tpu.vector_load %arg11[%get3A_692, %get3A_693] {strides = array<i32>} : memref<8x4096xf32, #tpu.memory_space<vmem>>, vector<1x16xf32>,
      %get3A_695 = vector.shape_cast %get3A_694 : vector<1x16xf32> to vector<16xf32>
      %sub3A_696 = arith.subi %squeeze3A_663, %multiple_of3A_690 : i32
      %eq3A_697 = vector.broadcast %sub3A_696 : i32 to vector<16xi32>
      %eq3A_698 = arith.cmpi eq, %iota3A, %eq3A_697 : vector<16xi32>
      %broadcast_in_dim3A_699 = arith.constant 0.000000e+00 : f32
      %broadcast_in_dim3A_700 = vector.broadcast %broadcast_in_dim3A_699 : f32 to vector<16xf32>
      %select_n3A_701 = arith.select %eq3A_698, %get3A_695, %broadcast_in_dim3A_700 : vector<16xi1>, vector<16xf32>
      %get3A_702 = arith.constant 0 : index
      %get3A_703 = tpu.vector_load %arg9[%get3A_702] {strides = array<i32>} : memref<16xf32, #tpu.memory_space<vmem>>, vector<16xf32>,
      %get3A_704 = vector.shape_cast %get3A_703 : vector<16xf32> to vector<16xf32>
      %add3A_705 = arith.addf %get3A_704, %select_n3A_701 : vector<16xf32>
      %swap3A_706 = arith.constant 0 : index
      %swap3A_707 = tpu.vector_load %arg9[%swap3A_706] {strides = array<i32>} : memref<16xf32, #tpu.memory_space<vmem>>, vector<16xf32>,
      %swap3A_708 = vector.shape_cast %swap3A_707 : vector<16xf32> to vector<16xf32>
      %swap3A_709 = vector.shape_cast %add3A_705 : vector<16xf32> to vector<16xf32>
      tpu.vector_store %arg9[%swap3A_706], %swap3A_709 {strides = array<i32>} : memref<16xf32, #tpu.memory_space<vmem>>, vector<16xf32>,
      %slice3A_710 = vector.extract_strided_slice %get3A_421 {offsets = [6], sizes = [1], strides = [1]} : vector<16xi32> to vector<1xi32>
      %squeeze3A_711 = vector.extract %slice3A_710[0] : i32 from vector<1xi32>
      %jit3A_712 = arith.constant 16 : i32
      %div3A_713 = arith.divsi %squeeze3A_711, %jit3A_712 : i32
      %sign3A_714 = arith.constant 0 : i32
      %sign3A_715 = arith.cmpi sgt, %squeeze3A_711, %sign3A_714 : i32
      %sign3A_716 = arith.extui %sign3A_715 : i1 to i32
      %sign3A_717 = arith.constant 0 : i32
      %sign3A_718 = arith.cmpi slt, %squeeze3A_711, %sign3A_717 : i32
      %sign3A_719 = arith.extui %sign3A_718 : i1 to i32
      %sign3A_720 = arith.subi %sign3A_716, %sign3A_719 : i32
      %sign3A_721 = arith.constant 0 : i32
      %sign3A_722 = arith.cmpi sgt, %jit3A_712, %sign3A_721 : i32
      %sign3A_723 = arith.extui %sign3A_722 : i1 to i32
      %sign3A_724 = arith.constant 0 : i32
      %sign3A_725 = arith.cmpi slt, %jit3A_712, %sign3A_724 : i32
      %sign3A_726 = arith.extui %sign3A_725 : i1 to i32
      %sign3A_727 = arith.subi %sign3A_723, %sign3A_726 : i32
      %ne3A_728 = arith.cmpi ne, %sign3A_720, %sign3A_727 : i32
      %rem3A_729 = arith.remsi %squeeze3A_711, %jit3A_712 : i32
      %ne3A_730 = arith.constant 0 : i32
      %ne3A_731 = arith.cmpi ne, %rem3A_729, %ne3A_730 : i32
      %and3A_732 = arith.andi %ne3A_728, %ne3A_731 : i1
      %sub3A_733 = arith.constant 1 : i32
      %sub3A_734 = arith.subi %div3A_713, %sub3A_733 : i32
      %select_n3A_735 = arith.select %and3A_732, %sub3A_734, %div3A_713 : i32
      %mul3A_736 = arith.constant 16 : i32
      %mul3A_737 = arith.muli %select_n3A_735, %mul3A_736 : i32
      %multiple_of3A_738 = tpu.assume_multiple %mul3A_737, 16 : i32
      %get3A_739 = arith.constant 6 : i32
      %get3A_740 = arith.index_cast %get3A_739 : i32 to index
      %get3A_741 = arith.index_cast %multiple_of3A_738 : i32 to index
      %get3A_742 = tpu.vector_load %arg11[%get3A_740, %get3A_741] {strides = array<i32>} : memref<8x4096xf32, #tpu.memory_space<vmem>>, vector<1x16xf32>,
      %get3A_743 = vector.shape_cast %get3A_742 : vector<1x16xf32> to vector<16xf32>
      %sub3A_744 = arith.subi %squeeze3A_711, %multiple_of3A_738 : i32
      %eq3A_745 = vector.broadcast %sub3A_744 : i32 to vector<16xi32>
      %eq3A_746 = arith.cmpi eq, %iota3A, %eq3A_745 : vector<16xi32>
      %broadcast_in_dim3A_747 = arith.constant 0.000000e+00 : f32
      %broadcast_in_dim3A_748 = vector.broadcast %broadcast_in_dim3A_747 : f32 to vector<16xf32>
      %select_n3A_749 = arith.select %eq3A_746, %get3A_743, %broadcast_in_dim3A_748 : vector<16xi1>, vector<16xf32>
      %get3A_750 = arith.constant 0 : index
      %get3A_751 = tpu.vector_load %arg9[%get3A_750] {strides = array<i32>} : memref<16xf32, #tpu.memory_space<vmem>>, vector<16xf32>,
      %get3A_752 = vector.shape_cast %get3A_751 : vector<16xf32> to vector<16xf32>
      %add3A_753 = arith.addf %get3A_752, %select_n3A_749 : vector<16xf32>
      %swap3A_754 = arith.constant 0 : index
      %swap3A_755 = tpu.vector_load %arg9[%swap3A_754] {strides = array<i32>} : memref<16xf32, #tpu.memory_space<vmem>>, vector<16xf32>,
      %swap3A_756 = vector.shape_cast %swap3A_755 : vector<16xf32> to vector<16xf32>
      %swap3A_757 = vector.shape_cast %add3A_753 : vector<16xf32> to vector<16xf32>
      tpu.vector_store %arg9[%swap3A_754], %swap3A_757 {strides = array<i32>} : memref<16xf32, #tpu.memory_space<vmem>>, vector<16xf32>,
      %slice3A_758 = vector.extract_strided_slice %get3A_421 {offsets = [7], sizes = [1], strides = [1]} : vector<16xi32> to vector<1xi32>
      %squeeze3A_759 = vector.extract %slice3A_758[0] : i32 from vector<1xi32>
      %jit3A_760 = arith.constant 16 : i32
      %div3A_761 = arith.divsi %squeeze3A_759, %jit3A_760 : i32
      %sign3A_762 = arith.constant 0 : i32
      %sign3A_763 = arith.cmpi sgt, %squeeze3A_759, %sign3A_762 : i32
      %sign3A_764 = arith.extui %sign3A_763 : i1 to i32
      %sign3A_765 = arith.constant 0 : i32
      %sign3A_766 = arith.cmpi slt, %squeeze3A_759, %sign3A_765 : i32
      %sign3A_767 = arith.extui %sign3A_766 : i1 to i32
      %sign3A_768 = arith.subi %sign3A_764, %sign3A_767 : i32
      %sign3A_769 = arith.constant 0 : i32
      %sign3A_770 = arith.cmpi sgt, %jit3A_760, %sign3A_769 : i32
      %sign3A_771 = arith.extui %sign3A_770 : i1 to i32
      %sign3A_772 = arith.constant 0 : i32
      %sign3A_773 = arith.cmpi slt, %jit3A_760, %sign3A_772 : i32
      %sign3A_774 = arith.extui %sign3A_773 : i1 to i32
      %sign3A_775 = arith.subi %sign3A_771, %sign3A_774 : i32
      %ne3A_776 = arith.cmpi ne, %sign3A_768, %sign3A_775 : i32
      %rem3A_777 = arith.remsi %squeeze3A_759, %jit3A_760 : i32
      %ne3A_778 = arith.constant 0 : i32
      %ne3A_779 = arith.cmpi ne, %rem3A_777, %ne3A_778 : i32
      %and3A_780 = arith.andi %ne3A_776, %ne3A_779 : i1
      %sub3A_781 = arith.constant 1 : i32
      %sub3A_782 = arith.subi %div3A_761, %sub3A_781 : i32
      %select_n3A_783 = arith.select %and3A_780, %sub3A_782, %div3A_761 : i32
      %mul3A_784 = arith.constant 16 : i32
      %mul3A_785 = arith.muli %select_n3A_783, %mul3A_784 : i32
      %multiple_of3A_786 = tpu.assume_multiple %mul3A_785, 16 : i32
      %get3A_787 = arith.constant 7 : i32
      %get3A_788 = arith.index_cast %get3A_787 : i32 to index
      %get3A_789 = arith.index_cast %multiple_of3A_786 : i32 to index
      %get3A_790 = tpu.vector_load %arg11[%get3A_788, %get3A_789] {strides = array<i32>} : memref<8x4096xf32, #tpu.memory_space<vmem>>, vector<1x16xf32>,
      %get3A_791 = vector.shape_cast %get3A_790 : vector<1x16xf32> to vector<16xf32>
      %sub3A_792 = arith.subi %squeeze3A_759, %multiple_of3A_786 : i32
      %eq3A_793 = vector.broadcast %sub3A_792 : i32 to vector<16xi32>
      %eq3A_794 = arith.cmpi eq, %iota3A, %eq3A_793 : vector<16xi32>
      %broadcast_in_dim3A_795 = arith.constant 0.000000e+00 : f32
      %broadcast_in_dim3A_796 = vector.broadcast %broadcast_in_dim3A_795 : f32 to vector<16xf32>
      %select_n3A_797 = arith.select %eq3A_794, %get3A_791, %broadcast_in_dim3A_796 : vector<16xi1>, vector<16xf32>
      %get3A_798 = arith.constant 0 : index
      %get3A_799 = tpu.vector_load %arg9[%get3A_798] {strides = array<i32>} : memref<16xf32, #tpu.memory_space<vmem>>, vector<16xf32>,
      %get3A_800 = vector.shape_cast %get3A_799 : vector<16xf32> to vector<16xf32>
      %add3A_801 = arith.addf %get3A_800, %select_n3A_797 : vector<16xf32>
      %swap3A_802 = arith.constant 0 : index
      %swap3A_803 = tpu.vector_load %arg9[%swap3A_802] {strides = array<i32>} : memref<16xf32, #tpu.memory_space<vmem>>, vector<16xf32>,
      %swap3A_804 = vector.shape_cast %swap3A_803 : vector<16xf32> to vector<16xf32>
      %swap3A_805 = vector.shape_cast %add3A_801 : vector<16xf32> to vector<16xf32>
      tpu.vector_store %arg9[%swap3A_802], %swap3A_805 {strides = array<i32>} : memref<16xf32, #tpu.memory_space<vmem>>, vector<16xf32>,
      %add3A_806 = arith.constant 1 : i32
      %add3A_807 = arith.addi %add3A_15, %add3A_806 : i32
      %mul3A_808 = arith.constant 8 : i32
      %mul3A_809 = arith.muli %add3A_807, %mul3A_808 : i32
      %add3A_810 = arith.addi %mul3A_2, %mul3A_809 : i32
      "tpu.region"() ({
        %run_scoped3A = tpu.sem_alloc : memref<!tpu.dma_semaphore, #tpu.memory_space<semaphore_mem>>
        %dma_start3A_811 = arith.constant 0 : i32
        %dma_start3A_812 = tpu.memref_slice %arg5[%add3A_810, %dma_start3A_811] : memref<16384x4096xf32, #tpu.memory_space<hbm>> -> memref<8x4096xf32, #tpu.memory_space<hbm>>
        %dma_start3A_813 = arith.constant 0 : i32
        %dma_start3A_814 = tpu.memref_slice %arg5[%add3A_810, %dma_start3A_813] : memref<16384x4096xf32, #tpu.memory_space<hbm>> -> memref<8x4096xf32, #tpu.memory_space<hbm>>
        tpu.enqueue_dma source(%arg11 : memref<8x4096xf32, #tpu.memory_space<vmem>>) target(%dma_start3A_814 : memref<8x4096xf32, #tpu.memory_space<hbm>>) target_semaphore(%run_scoped3A : memref<!tpu.dma_semaphore, #tpu.memory_space<semaphore_mem>>)
        %dma_wait3A_815 = arith.constant 0 : i32
        %dma_wait3A_816 = tpu.memref_slice %arg5[%add3A_810, %dma_wait3A_815] : memref<16384x4096xf32, #tpu.memory_space<hbm>> -> memref<8x4096xf32, #tpu.memory_space<hbm>>
        %dma_wait3A_817 = arith.constant 0 : i32
        %dma_wait3A_818 = tpu.memref_slice %arg5[%add3A_810, %dma_wait3A_817] : memref<16384x4096xf32, #tpu.memory_space<hbm>> -> memref<8x4096xf32, #tpu.memory_space<hbm>>
        tpu.wait_dma2 semaphore(%run_scoped3A : memref<!tpu.dma_semaphore, #tpu.memory_space<semaphore_mem>>) src(%arg11 : memref<8x4096xf32, #tpu.memory_space<vmem>>) dst(%dma_wait3A_818 : memref<8x4096xf32, #tpu.memory_space<hbm>>)
        tpu.yield
      }) : () -> ()
    }
    %scan3A_10 = arith.constant 32 : i32
    "tpu.region"() ({
      %run_scoped3A = tpu.sem_alloc : memref<!tpu.dma_semaphore, #tpu.memory_space<semaphore_mem>>
      %dma_start3A = arith.constant 0 : i32
      %dma_start3A_11 = tpu.memref_slice %arg6[%add3A, %dma_start3A] : memref<32x16xf32, #tpu.memory_space<hbm>> -> memref<1x16xf32, #tpu.memory_space<hbm>>
      %dma_start3A_12 = tpu.memref_squeeze %dma_start3A_11 : memref<1x16xf32, #tpu.memory_space<hbm>> -> memref<16xf32, #tpu.memory_space<hbm>>
      %dma_start3A_13 = arith.constant 0 : i32
      %dma_start3A_14 = tpu.memref_slice %arg6[%add3A, %dma_start3A_13] : memref<32x16xf32, #tpu.memory_space<hbm>> -> memref<1x16xf32, #tpu.memory_space<hbm>>
      %dma_start3A_15 = tpu.memref_squeeze %dma_start3A_14 : memref<1x16xf32, #tpu.memory_space<hbm>> -> memref<16xf32, #tpu.memory_space<hbm>>
      tpu.enqueue_dma source(%arg9 : memref<16xf32, #tpu.memory_space<vmem>>) target(%dma_start3A_15 : memref<16xf32, #tpu.memory_space<hbm>>) target_semaphore(%run_scoped3A : memref<!tpu.dma_semaphore, #tpu.memory_space<semaphore_mem>>)
      %dma_wait3A = arith.constant 0 : i32
      %dma_wait3A_16 = tpu.memref_slice %arg6[%add3A, %dma_wait3A] : memref<32x16xf32, #tpu.memory_space<hbm>> -> memref<1x16xf32, #tpu.memory_space<hbm>>
      %dma_wait3A_17 = tpu.memref_squeeze %dma_wait3A_16 : memref<1x16xf32, #tpu.memory_space<hbm>> -> memref<16xf32, #tpu.memory_space<hbm>>
      %dma_wait3A_18 = arith.constant 0 : i32
      %dma_wait3A_19 = tpu.memref_slice %arg6[%add3A, %dma_wait3A_18] : memref<32x16xf32, #tpu.memory_space<hbm>> -> memref<1x16xf32, #tpu.memory_space<hbm>>
      %dma_wait3A_20 = tpu.memref_squeeze %dma_wait3A_19 : memref<1x16xf32, #tpu.memory_space<hbm>> -> memref<16xf32, #tpu.memory_space<hbm>>
      tpu.wait_dma2 semaphore(%run_scoped3A : memref<!tpu.dma_semaphore, #tpu.memory_space<semaphore_mem>>) src(%arg9 : memref<16xf32, #tpu.memory_space<vmem>>) dst(%dma_wait3A_20 : memref<16xf32, #tpu.memory_space<hbm>>)
      tpu.yield
    }) : () -> ()
    return
  }
}

module attributes {stable_mosaic.version = 14 : i64} {
  func.func @_lse_body(%arg0: i32, %arg1: memref<512x4096xf32, #tpu.memory_space<vmem>>, %arg2: memref<512x1xf32, #tpu.memory_space<vmem>>) attributes {dimension_semantics = [#tpu.dimension_semantics<arbitrary>], iteration_bounds = array<i64: 8>, scalar_prefetch = 0 : i64, scratch_operands = 0 : i64, tpu.core_type = #tpu.core_type<tc>, window_params = [{transform_indices = @transform_0, window_bounds = array<i64: 512, 4096>}, {transform_indices = @transform_1, window_bounds = array<i64: 512, 1>}]} {
    %get3A = arith.constant 0 : index
    %get3A_0 = arith.constant 0 : index
    %get3A_1 = vector.load %arg1[%get3A, %get3A_0] : memref<512x4096xf32, #tpu.memory_space<vmem>>, vector<512x4096xf32>
    %reduce_max3A = arith.constant dense<0xFF800000> : vector<512xf32>
    %reduce_max3A_2 = vector.multi_reduction <maximumf>, %get3A_1, %reduce_max3A [1] : vector<512x4096xf32> to vector<512xf32>
    %broadcast_in_dim3A = vector.shape_cast %reduce_max3A_2 : vector<512xf32> to vector<512x1xf32>
    %sub3A = vector.broadcast %broadcast_in_dim3A : vector<512x1xf32> to vector<512x4096xf32>
    %sub3A_3 = arith.subf %get3A_1, %sub3A : vector<512x4096xf32>
    %exp3A = math.exp %sub3A_3 : vector<512x4096xf32>
    %reduce_sum3A = arith.constant dense<0.000000e+00> : vector<512xf32>
    %reduce_sum3A_4 = vector.multi_reduction <add>, %exp3A, %reduce_sum3A [1] : vector<512x4096xf32> to vector<512xf32>
    %broadcast_in_dim3A_5 = vector.shape_cast %reduce_sum3A_4 : vector<512xf32> to vector<512x1xf32>
    %log3A = math.log %broadcast_in_dim3A_5 : vector<512x1xf32>
    %add3A = arith.addf %broadcast_in_dim3A, %log3A : vector<512x1xf32>
    %swap3A = arith.constant 0 : index
    %swap3A_6 = arith.constant 0 : index
    %swap3A_7 = vector.load %arg2[%swap3A, %swap3A_6] : memref<512x1xf32, #tpu.memory_space<vmem>>, vector<512x1xf32>
    tpu.vector_store %arg2[%swap3A, %swap3A_6], %add3A {strides = array<i32>} : memref<512x1xf32, #tpu.memory_space<vmem>>, vector<512x1xf32>,
    return
  }
  func.func @transform_0(%arg0: i32) -> (i32, i32) {
    %c0_i32 = arith.constant 0 : i32
    %c0_i32_0 = arith.constant 0 : i32
    return %arg0, %c0_i32 : i32, i32
  }
  func.func @transform_1(%arg0: i32) -> (i32, i32) {
    %c0_i32 = arith.constant 0 : i32
    %c0_i32_0 = arith.constant 0 : i32
    return %arg0, %c0_i32 : i32, i32
  }
}

module attributes {stable_mosaic.version = 14 : i64} {
  func.func @_loss_body(%arg0: memref<1x1xf32, #tpu.memory_space<vmem>>, %arg1: memref<32x16xf32, #tpu.memory_space<vmem>>, %arg2: memref<1x1xf32, #tpu.memory_space<vmem>>) attributes {dimension_semantics = [], scalar_prefetch = 0 : i64, scratch_operands = 0 : i64, tpu.core_type = #tpu.core_type<tc>} {
    %get3A = arith.constant 0 : index
    %get3A_0 = arith.constant 0 : index
    %get3A_1 = vector.load %arg1[%get3A, %get3A_0] : memref<32x16xf32, #tpu.memory_space<vmem>>, vector<32x16xf32>
    %reduce_sum3A = vector.shape_cast %get3A_1 : vector<32x16xf32> to vector<1x32x16xf32>
    %reduce_sum3A_2 = arith.constant dense<0.000000e+00> : vector<1xf32>
    %reduce_sum3A_3 = vector.multi_reduction <add>, %reduce_sum3A, %reduce_sum3A_2 [1, 2] : vector<1x32x16xf32> to vector<1xf32>
    %reduce_sum3A_4 = vector.shape_cast %reduce_sum3A_3 : vector<1xf32> to vector<1x1x1xf32>
    %reduce_sum3A_5 = vector.extract %reduce_sum3A_4[0, 0, 0] : f32 from vector<1x1x1xf32>
    %broadcast_in_dim3A = vector.broadcast %reduce_sum3A_5 : f32 to vector<1x1xf32>
    %get3A_6 = arith.constant 0 : index
    %get3A_7 = arith.constant 0 : index
    %get3A_8 = vector.load %arg0[%get3A_6, %get3A_7] : memref<1x1xf32, #tpu.memory_space<vmem>>, vector<1x1xf32>
    %sub3A = arith.subf %get3A_8, %broadcast_in_dim3A : vector<1x1xf32>
    %mul3A = arith.constant 6.10351563E-5 : f32
    %mul3A_9 = vector.broadcast %mul3A : f32 to vector<1x1xf32>
    %mul3A_10 = arith.mulf %sub3A, %mul3A_9 : vector<1x1xf32>
    %swap3A = arith.constant 0 : index
    %swap3A_11 = arith.constant 0 : index
    %swap3A_12 = vector.load %arg2[%swap3A, %swap3A_11] : memref<1x1xf32, #tpu.memory_space<vmem>>, vector<1x1xf32>
    tpu.vector_store %arg2[%swap3A, %swap3A_11], %mul3A_10 {strides = array<i32>} : memref<1x1xf32, #tpu.memory_space<vmem>>, vector<1x1xf32>,
    return
  }
}

module attributes {stable_mosaic.version = 14 : i64} {
  func.func @_sumlse_body(%arg0: i32, %arg1: memref<1x1x1024xi32, #tpu.memory_space<vmem>>, %arg2: memref<4096x1xf32, #tpu.memory_space<vmem>>, %arg3: memref<1x1xf32, #tpu.memory_space<vmem>>) attributes {dimension_semantics = [#tpu.dimension_semantics<arbitrary>], iteration_bounds = array<i64: 16>, scalar_prefetch = 0 : i64, scratch_operands = 0 : i64, tpu.core_type = #tpu.core_type<tc>, window_params = [{transform_indices = @transform_0, window_bounds = array<i64: 1, 1, 1024>}, {pipeline_mode = #tpu.pipeline_mode<synchronous>, transform_indices = @transform_1, window_bounds = array<i64: 4096, 1>}, {pipeline_mode = #tpu.pipeline_mode<synchronous>, transform_indices = @transform_2, window_bounds = array<i64: 1, 1>}]} {
    %eq3A = arith.constant 0 : i32
    %eq3A_0 = arith.cmpi eq, %arg0, %eq3A : i32
    %convert_element_type3A = arith.extui %eq3A_0 : i1 to i32
    %cond3A = arith.constant 0 : i32
    %cond3A_1 = arith.cmpi ne, %convert_element_type3A, %cond3A : i32
    scf.if %cond3A_1 {
      %broadcast_in_dim3A_24 = arith.constant 0.000000e+00 : f32
      %broadcast_in_dim3A_25 = vector.broadcast %broadcast_in_dim3A_24 : f32 to vector<1x1xf32>
      %swap3A_26 = arith.constant 0 : index
      %swap3A_27 = arith.constant 0 : index
      %swap3A_28 = vector.load %arg3[%swap3A_26, %swap3A_27] : memref<1x1xf32, #tpu.memory_space<vmem>>, vector<1x1xf32>
      tpu.vector_store %arg3[%swap3A_26, %swap3A_27], %broadcast_in_dim3A_25 {strides = array<i32>} : memref<1x1xf32, #tpu.memory_space<vmem>>, vector<1x1xf32>,
    } else {
    }
    %get3A = arith.constant 0 : index
    %get3A_2 = arith.constant 0 : index
    %get3A_3 = arith.constant 0 : index
    %get3A_4 = vector.load %arg1[%get3A, %get3A_2, %get3A_3] : memref<1x1x1024xi32, #tpu.memory_space<vmem>>, vector<1x1x1024xi32>
    %get3A_5 = vector.shape_cast %get3A_4 : vector<1x1x1024xi32> to vector<1x1024xi32>
    %iota3A = tpu.iota {dimensions = array<i32: 0>} : vector<4096x1xi32>
    %eq3A_6 = vector.broadcast %iota3A : vector<4096x1xi32> to vector<4096x1024xi32>
    %eq3A_7 = vector.broadcast %get3A_5 : vector<1x1024xi32> to vector<4096x1024xi32>
    %eq3A_8 = arith.cmpi eq, %eq3A_6, %eq3A_7 : vector<4096x1024xi32>
    %convert_element_type3A_9 = arith.extui %eq3A_8 : vector<4096x1024xi1> to vector<4096x1024xi32>
    %convert_element_type3A_10 = arith.sitofp %convert_element_type3A_9 : vector<4096x1024xi32> to vector<4096x1024xf32>
    %get3A_11 = arith.constant 0 : index
    %get3A_12 = arith.constant 0 : index
    %get3A_13 = vector.load %arg2[%get3A_11, %get3A_12] : memref<4096x1xf32, #tpu.memory_space<vmem>>, vector<4096x1xf32>
    %mul3A = vector.broadcast %get3A_13 : vector<4096x1xf32> to vector<4096x1024xf32>
    %mul3A_14 = arith.mulf %convert_element_type3A_10, %mul3A : vector<4096x1024xf32>
    %reduce_sum3A = vector.shape_cast %mul3A_14 : vector<4096x1024xf32> to vector<1x4096x1024xf32>
    %reduce_sum3A_15 = arith.constant dense<0.000000e+00> : vector<1xf32>
    %reduce_sum3A_16 = vector.multi_reduction <add>, %reduce_sum3A, %reduce_sum3A_15 [1, 2] : vector<1x4096x1024xf32> to vector<1xf32>
    %reduce_sum3A_17 = vector.shape_cast %reduce_sum3A_16 : vector<1xf32> to vector<1x1x1xf32>
    %reduce_sum3A_18 = vector.extract %reduce_sum3A_17[0, 0, 0] : f32 from vector<1x1x1xf32>
    %broadcast_in_dim3A = vector.broadcast %reduce_sum3A_18 : f32 to vector<1x1xf32>
    %get3A_19 = arith.constant 0 : index
    %get3A_20 = arith.constant 0 : index
    %get3A_21 = vector.load %arg3[%get3A_19, %get3A_20] : memref<1x1xf32, #tpu.memory_space<vmem>>, vector<1x1xf32>
    %add3A = arith.addf %get3A_21, %broadcast_in_dim3A : vector<1x1xf32>
    %swap3A = arith.constant 0 : index
    %swap3A_22 = arith.constant 0 : index
    %swap3A_23 = vector.load %arg3[%swap3A, %swap3A_22] : memref<1x1xf32, #tpu.memory_space<vmem>>, vector<1x1xf32>
    tpu.vector_store %arg3[%swap3A, %swap3A_22], %add3A {strides = array<i32>} : memref<1x1xf32, #tpu.memory_space<vmem>>, vector<1x1xf32>,
    return
  }
  func.func @transform_0(%arg0: i32) -> (i32, i32, i32) {
    %c0_i32 = arith.constant 0 : i32
    %c0_i32_0 = arith.constant 0 : i32
    %c0_i32_1 = arith.constant 0 : i32
    return %arg0, %c0_i32, %c0_i32_0 : i32, i32, i32
  }
  func.func @transform_1(%arg0: i32) -> (i32, i32) {
    %c0_i32 = arith.constant 0 : i32
    %c0_i32_0 = arith.constant 0 : i32
    %c0_i32_1 = arith.constant 0 : i32
    return %c0_i32, %c0_i32_0 : i32, i32
  }
  func.func @transform_2(%arg0: i32) -> (i32, i32) {
    %c0_i32 = arith.constant 0 : i32
    %c0_i32_0 = arith.constant 0 : i32
    %c0_i32_1 = arith.constant 0 : i32
    return %c0_i32, %c0_i32_0 : i32, i32
  }
}

</mosaic_0001>

<sc_bundles>
// kernel: kernel.6.cloned.1.call-start
scs
__scs_entry_jumppad:
0x0: {  	(pc) =	sbr.rel $0x88, $3  }
0x1: {  	(tag) =	ssettag $0x0;
	lr =	simm.s32 $0x1  }
0x2: {  	[smem:$0x3F9E] =	sst lr;
	_ =	strace $0xD0000000  }
0x3: {  	_ = 	snop  }
0x4: {  	_ = 	snop  }
0x5: {  	_ = 	snop  }
0x6: {  	_ = 	snop  }
0x7: {  	_ = 	snop  }
__scs_overlays_trampoline_lowered:
0x8: {  	[smem:$0x3FAD] =	sst s0  }
0x9: {  	[smem:$0x3FAE] =	sst s1  }
0xa: {  	[smem:$0x3FAF] =	sst s2  }
0xb: {  	[smem:$0x3FB0] =	sst s3  }
0xc: {  	[smem:$0x3FB1] =	sst s4  }
0xd: {  	[smem:$0x3FB2] =	sst s5  }
0xe: {  	[smem:$0x3FB3] =	sst s6  }
0xf: {  	[smem:$0x3FB4] =	sst s7  }
0x10: {  	[smem:$0x3FB5] =	sst s8  }
0x11: {  	[smem:$0x3FB6] =	sst s9;
	s0 =	simm.s32 @!p0 $0x0  }
0x12: {  	s1 =	sld [smem:$0x3F9C];
	s0 =	simm.s32 @p0 $0x1  }
0x13: {  	[smem:$0x3FB7] =	sst s0;
	s0 =	simm.s32 @!p1 $0x0  }
0x14: {  	s2 =	sld [smem:$0x3F9B];
	s0 =	simm.s32 @p1 $0x1  }
0x15: {  	[smem:$0x3FB8] =	sst s0;
	s0 =	simm.s32 @!p2 $0x0  }
0x16: {  	s3 =	sld [smem:$0x3FDB];
	s0 =	simm.s32 @p2 $0x1  }
0x17: {  	s4 =	simm.s32 $0x1BF5;
	[smem:$0x3FBA] =	sst s0  }
0x18: {  	s0 =	sld [smem:$0x3F9D];
	_ =	swait.ge [sflag:s4], $0x0  }
0x19: {  	s7 =	sld [smem:$0x3F9E]  }
0x1a: {  	s8 =	sadd.s32 $0xFFFFE003, lr  }
0x1b: {  	s9 =	sadd.s32 $0xFFFFFEF7, lr;
	s5 =	simm.s32 $0xFFFFFFFF;
	p2 =	slt.u32 s8, $0xFFFFF086  }
0x1c: {  	p1 =	slt.u32 s9, $0xF7A;
	s5 =	simm.s32 @!p2 $0x0  }
0x1d: {  	s5 =	simm.s32 @p1 $0x1;
	p0 =	seq.s32 s7, s2  }
0x1e: {  	s7 =	smul.u32 @!p0 $0xF7A, s2;
	p2 =	seq.s32 @!p0 s5, $0x0  }
0x1f: {  	s9 =	smul.u32 $0xF7A, s1;
	s8 =	simm.s32 @!p0 $0x1BF5;
	p2 =	por !p2, p0  }
0x20: {  	[sflag:s8] =	ssyncset.s32 @!p0 $0xFFFFF086;
	s6 =	sadd.s32 @!p0 s3, s7;
	s7 =	simm.s32 @!p0 $0x108  }
0x21: {  	s3 =	sadd.s32 s3, s9;
	s6 =	sadd.s32 @!p0 $0x88, s6;
	s7 =	simm.s32 @p2 $0x1082  }
0x22: {  	[simem:s7], [sflag:s8] =	dma.local @!p0 [hbm:s6], $0xF7A  }
0x23: {  	s9 =	sor.u32 $0xD0000000, s2;
	s6 =	simm.s32 $0x108;
	_ =	swait.ge @!p0 [sflag:s8], $0x0  }
0x24: {  	s3 =	sadd.s32 $0x88, s3;
	s6 =	simm.s32 @!p1 $0x1082;
	[sflag:s4] =	ssyncset.s32 $0xFFFFF086  }
0x25: {  	[simem:s6], [sflag:s4] =	dma.local [hbm:s3], $0xF7A  }
0x26: {  	[smem:$0x3F9E] =	sst s1;
	(tag) =	ssettag s2;
	_ =	strace s9  }
0x27: {  	s1 =	sld [smem:$0x3FAE]  }
0x28: {  	s2 =	sld [smem:$0x3FAF]  }
0x29: {  	s4 =	sld [smem:$0x3FB1]  }
0x2a: {  	p0 =	seq.s32 s5, $0x0;
	s5 =	sld [smem:$0x3FB2]  }
0x2b: {  	s6 =	sld [smem:$0x3FB3]  }
0x2c: {  	s7 =	sld [smem:$0x3FB4]  }
0x2d: {  	s3 =	simm.s32 $0x108;
	s8 =	sld [smem:$0x3FB5]  }
0x2e: {  	s3 =	simm.s32 @!p0 $0x1082;
	s9 =	sld [smem:$0x3FB6]  }
0x2f: {  	lr =	sadd.s32 s0, s3;
	s0 =	sld [smem:$0x3FAD]  }
0x30: {  	s3 =	sld [smem:$0x3FB0]  }
0x31: {  	[smem:$0x3FB9] =	sst s10  }
0x32: {  	s10 =	sld [smem:$0x3FB7];
	_ =	sdelay $0x3  }
0x33: {  	p0 =	seq.s32 s10, $0x1;
	s10 =	sld [smem:$0x3FB9];
	_ =	sdelay $0x3  }
0x34: {  	[smem:$0x3FB9] =	sst s10  }
0x35: {  	s10 =	sld [smem:$0x3FB8];
	_ =	sdelay $0x3  }
0x36: {  	p1 =	seq.s32 s10, $0x1;
	s10 =	sld [smem:$0x3FB9];
	_ =	sdelay $0x3  }
0x37: {  	[smem:$0x3FB9] =	sst s10  }
0x38: {  	s10 =	sld [smem:$0x3FBA]  }
0x39: {  	_ = 	snop;
	(pc) =	sbr.ind lr, $3  }
0x3a: {  	_ = 	snop  }
0x3b: {  	_ = 	snop  }
0x3c: {  	p2 =	seq.s32 s10, $0x1;
	s10 =	sld [smem:$0x3FB9]  }
0x3d: {  	_ =	shalt  }
0x3e: {  	_ =	shalt  }
0x3f: {  	_ =	shalt  }
0x40: {  	_ =	shalt  }
0x41: {  	_ =	shalt  }
0x42: {  	_ =	shalt  }
0x43: {  	_ =	shalt  }
0x44: {  	_ =	shalt  }
0x45: {  	_ =	shalt  }
0x46: {  	_ =	shalt  }
0x47: {  	_ =	shalt  }
0x48: {  	_ =	shalt  }
0x49: {  	_ =	shalt  }
0x4a: {  	_ =	shalt  }
0x4b: {  	_ =	shalt  }
0x4c: {  	_ =	shalt  }
0x4d: {  	_ =	shalt  }
0x4e: {  	_ =	shalt  }
0x4f: {  	_ =	shalt  }
0x50: {  	_ =	shalt  }
0x51: {  	_ =	shalt  }
0x52: {  	_ =	shalt  }
0x53: {  	_ =	shalt  }
0x54: {  	_ =	shalt  }
0x55: {  	_ =	shalt  }
0x56: {  	_ =	shalt  }
0x57: {  	_ =	shalt  }
0x58: {  	_ =	shalt  }
0x59: {  	_ =	shalt  }
0x5a: {  	_ =	shalt  }
0x5b: {  	_ =	shalt  }
0x5c: {  	_ =	shalt  }
0x5d: {  	_ =	shalt  }
0x5e: {  	_ =	shalt  }
0x5f: {  	_ =	shalt  }
0x60: {  	_ =	shalt  }
0x61: {  	_ =	shalt  }
0x62: {  	_ =	shalt  }
0x63: {  	_ =	shalt  }
0x64: {  	_ =	shalt  }
0x65: {  	_ =	shalt  }
0x66: {  	_ =	shalt  }
0x67: {  	_ =	shalt  }
0x68: {  	_ =	shalt  }
0x69: {  	_ =	shalt  }
0x6a: {  	_ =	shalt  }
0x6b: {  	_ =	shalt  }
0x6c: {  	_ =	shalt  }
0x6d: {  	_ =	shalt  }
0x6e: {  	_ =	shalt  }
0x6f: {  	_ =	shalt  }
0x70: {  	_ =	shalt  }
0x71: {  	_ =	shalt  }
0x72: {  	_ =	shalt  }
0x73: {  	_ =	shalt  }
0x74: {  	_ =	shalt  }
0x75: {  	_ =	shalt  }
0x76: {  	_ =	shalt  }
0x77: {  	_ =	shalt  }
0x78: {  	_ =	shalt  }
0x79: {  	_ =	shalt  }
0x7a: {  	_ =	shalt  }
0x7b: {  	_ =	shalt  }
0x7c: {  	_ =	shalt  }
0x7d: {  	_ =	shalt  }
0x7e: {  	_ =	shalt  }
0x7f: {  	_ =	shalt  }
0x80: {  	_ =	shalt  }
0x81: {  	_ =	shalt  }
0x82: {  	_ =	shalt  }
0x83: {  	_ =	shalt  }
0x84: {  	_ =	shalt  }
0x85: {  	_ =	shalt  }
0x86: {  	_ =	shalt  }
0x87: {  	_ =	shalt  }
.Lfunc_end0:
.L_simem_size_0:
called_computation_lowered:
.L_overlay_start_0:
0x88: {  	s2 =	sld [smem:$0x3FD9]  }
0x89: {  	s3 =	sld [smem:$0x3FFE];
	_ =	sdelay $0x1  }
0x8a: {  	s1 =	srdreg.scid  }
0x8b: {  	s0 =	sand.u32 $0x1, s1  }
0x8c: {  	s14 =	sshll.u32 s0, $0xA;
	s2 =	sadd.s32 s3, s2  }
0x8d: {  	s2 =	sadd.s32 s2, s14  }
0x8e: {  	[smem:$0x3FC5] =	sst s2  }
0x8f: {  	_ = 	snop  }
0x90: {  	s2 =	sld [smem:$0x3FD0];
	_ =	sdelay $0x2  }
0x91: {  	s4 =	simm.s32 $0xA;
	s5 =	simm.s32 $0x10;
	s15 =	sld [smem:$0x3FC9]  }
0x92: {  	[smem:s5], [sflag:s4] =	dma.local [hbm:s2], $0x1  }
0x93: {  	_ =	swait.eq [sflag:s4], $0x1  }
0x94: {  	[sflag:s4] =	ssyncset.done $0x0  }
0x95: {  	[sflag:s4] =	ssyncadd.s32 $0xFFFFFFFF  }
0x96: {  	s16 =	sld [smem:$0x10];
	(tm) =	ssettm $0x1  }
0x97: {  	s17 =	sld [smem:$0x3FFB];
	_ =	sdelay $0x3  }
0x98: {  	_ =	strace s17  }
0x99: {  	s4 =	sld [smem:$0x3FFC];
	_ =	sdelay $0x3  }
0x9a: {  	_ =	strace s4  }
0x9b: {  	s4 =	sld [smem:$0x3FFD];
	_ =	sdelay $0x3  }
0x9c: {  	_ =	strace s4  }
0x9d: {  	_ =	strace $0x8FFFFFFF  }
0x9e: {  	s18 =	sld [smem:$0x3FDB];
	_ =	sdelay $0x1  }
0x9f: {  	s19 =	simm.s32 $_scs_section_size  }
0xa0: {  	s6 =	simm.s32 $_size__tile_overlayer_lowered;
	s7 =	simm.s32 $_tile_overlayer_lowered  }
0xa1: {  	s22 =	simm.s32 $0x1BFF;
	s21 =	sshll.u32 s7, $0x1;
	s4 =	sadd.s32 s19, s18  }
0xa2: {  	s8 =	simm.s32 $0x0;
	s20 =	sshll.u32 s6, $0x1;
	s6 =	sadd.s32 s21, s4  }
0xa3: {  	[timem:s8], [sflag:s22] =	dma.local [hbm:s6], s20  }
0xa4: {  	_ =	swait.ge [sflag:s22], s20  }
0xa5: {  	s5 =	ssub.s32 $0x0, s20;
	[sflag:s22] =	ssyncset.done $0x0  }
0xa6: {  	[sflag:s22] =	ssyncadd.s32 s5;
	_ =	sdelay $0x1  }
0xa7: {  	s23 =	simm.s32 $0x1B8B  }
0xa8: {  	_ =	swait.ge [sflag:s23], $0x1  }
0xa9: {  	[sflag:s23] =	ssyncset.done $0x0  }
0xaa: {  	s25 =	simm.s32 $0x1B8E;
	s24 =	sld [smem:$0x3FFE];
	[sflag:s23] =	ssyncadd.s32 $0xFFFFFFFF  }
0xab: {  	s26 =	simm.s32 $execute0_lowered;
	[smem:$0x3FD2] =	sst s25  }
0xac: {  	s6 =	sshll.u32 s26, $0x1;
	_ =	strace $0x80000046;
	[dreg:$0x1] =	wrdreg $0xFFFFFFFF  }
0xad: {  	s28 =	simm.s32 $_size_execute0_lowered;
	s4 =	sadd.s32 s4, s6;
	[dreg:$0x0] =	wrdreg $0x0  }
0xae: {  	s6 =	sshll.u32 s28, $0x1;
	[dreg:$0x2] =	wrdreg s4  }
0xaf: {  	[dreg:$0x3] =	wrdreg s6  }
0xb0: {  	[dreg:$0x4] =	wrdreg $0xC0  }
0xb1: {  	_ =	task [dreg:s8], $0x5FFFF  }
0xb2: {  	[dreg:$0x1] =	wrdreg $0xFFFFFFFF  }
0xb3: {  	[dreg:$0x0] =	wrdreg $0x60  }
0xb4: {  	[dreg:$0x2] =	wrdreg s15  }
0xb5: {  	[dreg:$0x3] =	wrdreg s24  }
0xb6: {  	[dreg:$0x4] =	wrdreg s16  }
0xb7: {  	[dreg:$0x5] =	wrdreg $0x9  }
0xb8: {  	_ =	task.clear_ibuf [dreg:s8], $0x6FFFF;
	_ =	strace $0x90000046  }
0xb9: {  	s29 =	simm.s32 $0x9;
	_ =	strace $0x80000048  }
0xba: {  	_ =	swait.ge [sflag:s29], $0x1  }
0xbb: {  	[sflag:s29] =	ssyncadd.s32 $0xFFFFFFFF  }
0xbc: {  	_ =	strace $0x90000048  }
0xbd: {  	_ =	sfence  }
0xbe: {  	s30 =	sld [smem:$0x0];
	_ =	sdelay $0x2  }
0xbf: {  	s31 =	sshll.u32 s1, $0xD;
	s1 =	sshrl.u32 s1, $0x2  }
0xc0: {  	s3 =	sand.u32 $0x4000, s31;
	s1 =	sadd.s32 s1, s30  }
0xc1: {  	s0 =	sor.u32 s3, s0;
	s1 =	sshll.u32 s1, $0x11  }
0xc2: {  	s0 =	sor.u32 s1, s0  }
0xc3: {  	s0 =	sadd.s32 $0x8F2B, s0  }
0xc4: {  	[sflag:s0] =	ssyncadd.remote.s32 $0x1  }
0xc5: {  	_ =	sfence.sel $0xFFFF  }
0xc6: {  	[dreg:$0x0] =	wrdreg $0xFFFFFFFF;
	(pc) =	sbr.abs _section_cstart, $3  }
0xc7: {  	[dreg:$0x1] =	wrdreg $0xFFFFFFFF  }
0xc8: {  	_ =	task.clear_ibuf [dreg:s8], $0x2FFFF;
	_ =	strace $0x9FFFFFFF  }
0xc9: {  	(tm) =	ssettm $0x7FFFFFFF  }
tec
execute0_lowered:
.L_overlay_start_1:
0x0: {  	(tag) =	ssettag $0x1  }
0x1: {  	s1 =	rddreg [dreg:$0x0]  }
0x2: {  	s4 =	rddreg [dreg:$0x1]  }
0x3: {  	s2 =	rddreg [dreg:$0x2];
	s3 =	simm.s32 $0x0  }
0x4: {  	s0 =	srdreg.scid;
	s7 =	simm.s32 $0xD00;
	[smem:$0x7FF] =	sst s3  }
0x5: {  	s9 =	simm.s32 $0x1500;
	_ =	strace $0x80000047;
	[dreg:$0x4] =	wrdreg s7  }
0x6: {  	s23 =	stileid.u32;
	s10 =	simm.s32 $0x1D00;
	[dreg:$0x5] =	wrdreg s9  }
0x7: {  	s11 =	simm.s32 $0x2500;
	s13 =	simm.s32 $0x2D00;
	[dreg:$0x6] =	wrdreg s10  }
0x8: {  	s15 =	simm.s32 $0x3500;
	s16 =	simm.s32 $0x3D00;
	[dreg:$0x7] =	wrdreg s11  }
0x9: {  	s18 =	simm.s32 $0x4500;
	s20 =	simm.s32 $0x4D00;
	[dreg:$0x8] =	wrdreg s13  }
0xa: {  	s8 =	simm.s32 $0x5500;
	s24 =	simm.s32 $0xC500;
	[dreg:$0x9] =	wrdreg s15  }
0xb: {  	s25 =	simm.s32 $0xCD00;
	s26 =	simm.s32 $0xD500;
	[dreg:$0xa] =	wrdreg s16  }
0xc: {  	s31 =	simm.s32 $0xDD00;
	s28 =	simm.s32 $0x8500;
	[dreg:$0xb] =	wrdreg s18  }
0xd: {  	s29 =	simm.s32 $0x1;
	s30 =	simm.s32 $0x2;
	[dreg:$0xc] =	wrdreg s20  }
0xe: {  	s0 =	sand.u32 $0x1, s0;
	s5 =	sshll.u32 s23, $0x1;
	[dreg:$0xd] =	wrdreg s8  }
0xf: {  	s23 =	sshll.u32 s23, $0x13;
	s5 =	sor.u32 s0, s5;
	[dreg:$0x1a] =	wrdreg s24  }
0x10: {  	s12 =	ssub.s32 $0x2, s0;
	s7 =	sadd.s32 $0x200, s1;
	[dreg:$0x1b] =	wrdreg s25  }
0x11: {  	s9 =	simm.s32 $0x5D00;
	s8 =	sadd.s32 $0x300, s1;
	[dreg:$0x1c] =	wrdreg s26  }
0x12: {  	s10 =	simm.s32 $0x6500;
	s11 =	simm.s32 $0x6D00;
	[dreg:$0x1d] =	wrdreg s31  }
0x13: {  	s13 =	simm.s32 $0x7D00;
	s15 =	simm.s32 $0x9500;
	[dreg:$0xe] =	wrdreg s9  }
0x14: {  	s16 =	simm.s32 $0x9D00;
	s18 =	simm.s32 $0xAD00;
	[dreg:$0xf] =	wrdreg s10  }
0x15: {  	s20 =	simm.s32 $0xBD00;
	s2 =	sadd.s32 s23, s2;
	[dreg:$0x10] =	wrdreg s11  }
0x16: {  	s25 =	simm.s32 $0xED00;
	s0 =	sshll.u32 s0, $0x12;
	[dreg:$0x12] =	wrdreg s13  }
0x17: {  	s26 =	simm.s32 $0xF500;
	s31 =	simm.s32 $0xFD00;
	[dreg:$0x14] =	wrdreg s15  }
0x18: {  	s6 =	sshll.u32 s5, $0x6;
	s5 =	sshll.u32 s5, $0x4;
	[dreg:$0x15] =	wrdreg s16  }
0x19: {  	s14 =	sshrl.u32 s12, $0x1;
	s9 =	sadd.s32 $0x400, s1;
	[dreg:$0x17] =	wrdreg s18  }
0x1a: {  	s10 =	sadd.s32 $0x500, s1;
	s11 =	sadd.s32 $0x600, s1;
	[dreg:$0x19] =	wrdreg s20  }
0x1b: {  	s13 =	sadd.s32 $0x800, s1;
	s15 =	sadd.s32 $0xA00, s1;
	[dreg:$0x1f] =	wrdreg s25  }
0x1c: {  	s16 =	sadd.s32 $0xB00, s1;
	s18 =	sadd.s32 $0xD00, s1;
	[smem:$0x7FC] =	sst s26  }
0x1d: {  	s20 =	sadd.s32 $0xF00, s1;
	s0 =	sadd.s32 s0, s2;
	[smem:$0x7FD] =	sst s31  }
0x1e: {  	s22 =	ssub.s32 s12, s14;
	s12 =	simm.s32 $0x7500;
	[smem:$0x7FB] =	sst s0  }
0x1f: {  	s6 =	sadd.s32 s6, s4;
	s14 =	simm.s32 $0x8D00;
	[dreg:$0x11] =	wrdreg s12  }
0x20: {  	s26 =	simm.s32 $0x500;
	s17 =	sadd.s32 $0x1400, s6;
	[dreg:$0x13] =	wrdreg s14  }
0x21: {  	s21 =	sadd.s32 s5, s4;
	s19 =	sadd.s32 $0xC00, s6;
	[smem:$0x7F7] =	sst s17  }
0x22: {  	s0 =	simm.s32 $0x0;
	s5 =	sadd.s32 $0x1C00, s21;
	[smem:$0x7F8] =	sst s19  }
0x23: {  	s6 =	sadd.s32 $0x100, s1;
	s24 =	smax.u32 s22, $0x1;
	[smem:$0x7F9] =	sst s5  }
0x24: {  	s12 =	sadd.s32 $0x700, s1;
	s21 =	simm.s32 $0xE500;
	[smem:$0x7FA] =	sst s24  }
0x25: {  	v0 =	vlaneseq.u32;
	s14 =	sadd.s32 $0x900, s1;
	s17 =	simm.s32 $0xA500;
	[dreg:$0x1e] =	wrdreg s21  }
0x26: {  	v1 =	vimm.f32 $0.0e+00;
	v3 =	vshrl.u32 v0, $0x3;
	s19 =	simm.s32 $0xB500;
	s24 =	simm.s32 $0x3;
	[dreg:$0x16] =	wrdreg s17  }
0x27: {  	vm0 =	vmmov $0xffff;
	v2 =	vand.u32 $0x7, v0;
	v3 =	vmul.u32 $0x8, v3;
	s17 =	sadd.s32 $0xC00, s1;
	[dreg:$0x18] =	wrdreg s19;
	s19 =	sadd.s32 $0xE00, s1  }
.LBB2_1:
0x28: {  	s2 =	sld [smem:$0x7F7];
	_ =	sdelay $0x2  }
0x29: {  	[tilespmem:s3], [sflag:$0x3] =	stream.linear.gather [hbm4b:s2+s3], $0x200, $0x38;
	[tilespmem:$0x10500] =	vst v63  }
0x2a: {  	_ =	swait.ge [sflag:s24], $0x200  }
0x2b: {  	s31 =	sld [smem:$0x7F8]  }
0x2c: {  	[sflag:s24] =	ssyncset.done $0x0  }
0x2d: {  	s4 =	simm.s32 $0x200;
	[sflag:s24] =	ssyncadd.s32 $0xFFFFFE00  }
0x2e: {  	[tilespmem:s4], [sflag:$0x3] =	stream.linear.gather [hbm4b:s31+s3], $0x200, $0x38;
	[tilespmem:$0x10500] =	vst v63  }
0x2f: {  	_ =	swait.ge [sflag:s24], $0x200  }
0x30: {  	[sflag:s24] =	ssyncset.done $0x0  }
0x31: {  	[sflag:s24] =	ssyncadd.s32 $0xFFFFFE00  }
0x32: {  	s25 =	simm.s32 $0x0;
	s23 =	sld [smem:$0x7FB];
	[tilespmem:$0x480] =	vst v1  }
.LBB2_2:
0x33: {  	s31 =	sshra.s32 s25, $0x2  }
0x34: {  	v4 =	vld.msk [tilespmem:s31+$0x0], $0xff;
	_ =	sdelay $0x4  }
0x35: {  	v5 =	vshll.u32 v4, $0x5  }
0x36: {  	v4 =	vand.u32 $0x7, v4;
	v5 =	vand.u32 $0xFFFFFF00, v5  }
0x37: {  	v4 =	vor.u32 v4, v5  }
0x38: {  	v4 =	vperm.xlane v4, v2;
	_ =	sdelay $0x1  }
0x39: {  	v4 =	vadd.s32 v3, v4;
	_ =	sdelay $0x4  }
0x3a: {  	[tilespmem:s26], [sflag:$0x1] =	stream.indirect_vreg.gather [hbm4b:s1+s3], $0x80, v4, vm0, $0xb8;
	[tilespmem:$0x10500] =	vst v63  }
0x3b: {  	s4 =	rddreg [dreg:$0x4]  }
0x3c: {  	[tilespmem:s4], [sflag:$0x1] =	stream.indirect_vreg.gather [hbm4b:s6+s3], $0x80, v4, vm0, $0xb8;
	[tilespmem:$0x10500] =	vst v63  }
0x3d: {  	s5 =	rddreg [dreg:$0x5]  }
0x3e: {  	[tilespmem:s5], [sflag:$0x1] =	stream.indirect_vreg.gather [hbm4b:s7+s3], $0x80, v4, vm0, $0xb8;
	[tilespmem:$0x10500] =	vst v63  }
0x3f: {  	s21 =	rddreg [dreg:$0x6]  }
0x40: {  	[tilespmem:s21], [sflag:$0x1] =	stream.indirect_vreg.gather [hbm4b:s8+s3], $0x80, v4, vm0, $0xb8;
	[tilespmem:$0x10500] =	vst v63  }
0x41: {  	s22 =	rddreg [dreg:$0x7]  }
0x42: {  	[tilespmem:s22], [sflag:$0x1] =	stream.indirect_vreg.gather [hbm4b:s9+s3], $0x80, v4, vm0, $0xb8;
	[tilespmem:$0x10500] =	vst v63  }
0x43: {  	s2 =	rddreg [dreg:$0x8]  }
0x44: {  	[tilespmem:s2], [sflag:$0x1] =	stream.indirect_vreg.gather [hbm4b:s10+s3], $0x80, v4, vm0, $0xb8;
	[tilespmem:$0x10500] =	vst v63  }
0x45: {  	s21 =	rddreg [dreg:$0x9]  }
0x46: {  	[tilespmem:s21], [sflag:$0x1] =	stream.indirect_vreg.gather [hbm4b:s11+s3], $0x80, v4, vm0, $0xb8;
	[tilespmem:$0x10500] =	vst v63  }
0x47: {  	s22 =	rddreg [dreg:$0xa]  }
0x48: {  	[tilespmem:s22], [sflag:$0x1] =	stream.indirect_vreg.gather [hbm4b:s12+s3], $0x80, v4, vm0, $0xb8;
	[tilespmem:$0x10500] =	vst v63  }
0x49: {  	s2 =	rddreg [dreg:$0xb]  }
0x4a: {  	[tilespmem:s2], [sflag:$0x1] =	stream.indirect_vreg.gather [hbm4b:s13+s3], $0x80, v4, vm0, $0xb8;
	[tilespmem:$0x10500] =	vst v63  }
0x4b: {  	s21 =	rddreg [dreg:$0xc]  }
0x4c: {  	[tilespmem:s21], [sflag:$0x1] =	stream.indirect_vreg.gather [hbm4b:s14+s3], $0x80, v4, vm0, $0xb8;
	[tilespmem:$0x10500] =	vst v63  }
0x4d: {  	s22 =	rddreg [dreg:$0xd]  }
0x4e: {  	[tilespmem:s22], [sflag:$0x1] =	stream.indirect_vreg.gather [hbm4b:s15+s3], $0x80, v4, vm0, $0xb8;
	[tilespmem:$0x10500] =	vst v63  }
0x4f: {  	s2 =	rddreg [dreg:$0xe]  }
0x50: {  	[tilespmem:s2], [sflag:$0x1] =	stream.indirect_vreg.gather [hbm4b:s16+s3], $0x80, v4, vm0, $0xb8;
	[tilespmem:$0x10500] =	vst v63  }
0x51: {  	s21 =	rddreg [dreg:$0xf]  }
0x52: {  	[tilespmem:s21], [sflag:$0x1] =	stream.indirect_vreg.gather [hbm4b:s17+s3], $0x80, v4, vm0, $0xb8;
	[tilespmem:$0x10500] =	vst v63  }
0x53: {  	s22 =	rddreg [dreg:$0x10]  }
0x54: {  	[tilespmem:s22], [sflag:$0x1] =	stream.indirect_vreg.gather [hbm4b:s18+s3], $0x80, v4, vm0, $0xb8;
	[tilespmem:$0x10500] =	vst v63  }
0x55: {  	s2 =	rddreg [dreg:$0x11]  }
0x56: {  	[tilespmem:s2], [sflag:$0x1] =	stream.indirect_vreg.gather [hbm4b:s19+s3], $0x80, v4, vm0, $0xb8;
	[tilespmem:$0x10500] =	vst v63  }
0x57: {  	s21 =	rddreg [dreg:$0x12]  }
0x58: {  	[tilespmem:s21], [sflag:$0x1] =	stream.indirect_vreg.gather [hbm4b:s20+s3], $0x80, v4, vm0, $0xb8;
	[tilespmem:$0x10500] =	vst v63  }
0x59: {  	v4 =	vld.msk [tilespmem:s31+$0x8], $0xff;
	_ =	sdelay $0x4  }
0x5a: {  	v5 =	vshll.u32 v4, $0x5  }
0x5b: {  	v4 =	vand.u32 $0x7, v4;
	v5 =	vand.u32 $0xFFFFFF00, v5  }
0x5c: {  	v4 =	vor.u32 v4, v5  }
0x5d: {  	v4 =	vperm.xlane v4, v2;
	_ =	sdelay $0x1  }
0x5e: {  	v4 =	vadd.s32 v3, v4;
	_ =	sdelay $0x3  }
0x5f: {  	s22 =	rddreg [dreg:$0x13]  }
0x60: {  	[tilespmem:s28], [sflag:$0x2] =	stream.indirect_vreg.gather [hbm4b:s1+s3], $0x80, v4, vm0, $0xb8;
	[tilespmem:$0x10500] =	vst v63  }
0x61: {  	s2 =	rddreg [dreg:$0x14]  }
0x62: {  	[tilespmem:s22], [sflag:$0x2] =	stream.indirect_vreg.gather [hbm4b:s6+s3], $0x80, v4, vm0, $0xb8;
	[tilespmem:$0x10500] =	vst v63  }
0x63: {  	s21 =	rddreg [dreg:$0x15]  }
0x64: {  	[tilespmem:s2], [sflag:$0x2] =	stream.indirect_vreg.gather [hbm4b:s7+s3], $0x80, v4, vm0, $0xb8;
	[tilespmem:$0x10500] =	vst v63  }
0x65: {  	s22 =	rddreg [dreg:$0x16]  }
0x66: {  	[tilespmem:s21], [sflag:$0x2] =	stream.indirect_vreg.gather [hbm4b:s8+s3], $0x80, v4, vm0, $0xb8;
	[tilespmem:$0x10500] =	vst v63  }
0x67: {  	s2 =	rddreg [dreg:$0x17]  }
0x68: {  	[tilespmem:s22], [sflag:$0x2] =	stream.indirect_vreg.gather [hbm4b:s9+s3], $0x80, v4, vm0, $0xb8;
	[tilespmem:$0x10500] =	vst v63  }
0x69: {  	s21 =	rddreg [dreg:$0x18]  }
0x6a: {  	[tilespmem:s2], [sflag:$0x2] =	stream.indirect_vreg.gather [hbm4b:s10+s3], $0x80, v4, vm0, $0xb8;
	[tilespmem:$0x10500] =	vst v63  }
0x6b: {  	s22 =	rddreg [dreg:$0x19]  }
0x6c: {  	[tilespmem:s21], [sflag:$0x2] =	stream.indirect_vreg.gather [hbm4b:s11+s3], $0x80, v4, vm0, $0xb8;
	[tilespmem:$0x10500] =	vst v63  }
0x6d: {  	s2 =	rddreg [dreg:$0x1a]  }
0x6e: {  	[tilespmem:s22], [sflag:$0x2] =	stream.indirect_vreg.gather [hbm4b:s12+s3], $0x80, v4, vm0, $0xb8;
	[tilespmem:$0x10500] =	vst v63  }
0x6f: {  	s21 =	rddreg [dreg:$0x1b]  }
0x70: {  	[tilespmem:s2], [sflag:$0x2] =	stream.indirect_vreg.gather [hbm4b:s13+s3], $0x80, v4, vm0, $0xb8;
	[tilespmem:$0x10500] =	vst v63  }
0x71: {  	s22 =	rddreg [dreg:$0x1c]  }
0x72: {  	[tilespmem:s21], [sflag:$0x2] =	stream.indirect_vreg.gather [hbm4b:s14+s3], $0x80, v4, vm0, $0xb8;
	[tilespmem:$0x10500] =	vst v63  }
0x73: {  	s2 =	rddreg [dreg:$0x1d]  }
0x74: {  	[tilespmem:s22], [sflag:$0x2] =	stream.indirect_vreg.gather [hbm4b:s15+s3], $0x80, v4, vm0, $0xb8;
	[tilespmem:$0x10500] =	vst v63  }
0x75: {  	s21 =	rddreg [dreg:$0x1e]  }
0x76: {  	[tilespmem:s2], [sflag:$0x2] =	stream.indirect_vreg.gather [hbm4b:s16+s3], $0x80, v4, vm0, $0xb8;
	[tilespmem:$0x10500] =	vst v63  }
0x77: {  	s22 =	rddreg [dreg:$0x1f]  }
0x78: {  	[tilespmem:s21], [sflag:$0x2] =	stream.indirect_vreg.gather [hbm4b:s17+s3], $0x80, v4, vm0, $0xb8;
	[tilespmem:$0x10500] =	vst v63  }
0x79: {  	s2 =	sld [smem:$0x7FC]  }
0x7a: {  	[tilespmem:s22], [sflag:$0x2] =	stream.indirect_vreg.gather [hbm4b:s18+s3], $0x80, v4, vm0, $0xb8;
	[tilespmem:$0x10500] =	vst v63  }
0x7b: {  	s21 =	sld [smem:$0x7FD]  }
0x7c: {  	[tilespmem:s2], [sflag:$0x2] =	stream.indirect_vreg.gather [hbm4b:s19+s3], $0x80, v4, vm0, $0xb8;
	[tilespmem:$0x10500] =	vst v63  }
0x7d: {  	_ = 	snop  }
0x7e: {  	[tilespmem:s21], [sflag:$0x2] =	stream.indirect_vreg.gather [hbm4b:s20+s3], $0x80, v4, vm0, $0xb8;
	[tilespmem:$0x10500] =	vst v63  }
0x7f: {  	_ =	swait.ge [sflag:s29], $0x8000  }
0x80: {  	[sflag:s29] =	ssyncset.done $0x0  }
0x81: {  	[sflag:s29] =	ssyncadd.s32 $0xFFFF8000  }
0x82: {  	v4 =	vld [tilespmem:s31+$0x200];
	_ =	sdelay $0x4  }
0x83: {  	(v2sf) =	vpush v4, $0x0;
	_ =	sdelay $0x8  }
0x84: {  	(v2sf) =	vpush v4, $0x1;
	_ =	sdelay $0x5  }
0x85: {  	s4 =	spop (v2sf)  }
0x86: {  	s22 =	sand.u32 $0xF, s4  }
0x87: {  	s21 =	sshra.s32 s4, $0x1F;
	p0 =	slt.s32 s4, $0x1;
	p1 =	sne.s32 s22, $0x0  }
0x88: {  	(v2sf) =	vpush v4, $0x2;
	s2 =	sshrl.u32 s21, $0x1C;
	p0 =	por !p0, !p1  }
0x89: {  	s21 =	simm.s32 $0x1;
	s5 =	sadd.s32 s2, s4;
	p0 =	por !p0, !p0  }
0x8a: {  	s5 =	sshra.s32 s5, $0x4;
	s21 =	simm.s32 @!p0 $0x0  }
0x8b: {  	s5 =	ssub.s32 s5, s21  }
0x8c: {  	s21 =	sshll.u32 s5, $0x4;
	s5 =	sshll.u32 s5, $0x7  }
0x8d: {  	s22 =	sand.u32 $0x70, s21;
	s5 =	sand.u32 $0xFFFFFC00, s5  }
0x8e: {  	s5 =	sor.u32 s22, s5;
	s22 =	spop (v2sf)  }
0x8f: {  	v5 =	vld [tilespmem:s5+$0x500];
	s5 =	sand.u32 $0xF, s22  }
0x90: {  	v6 =	vld [tilespmem:$0x480];
	s2 =	sshra.s32 s22, $0x1F;
	p1 =	slt.s32 s22, $0x1;
	p2 =	sne.s32 s5, $0x0  }
0x91: {  	s4 =	ssub.s32 s4, s21;
	(v2sf) =	vpush v4, $0x3;
	s2 =	sshrl.u32 s2, $0x1C;
	p0 =	por !p1, !p2  }
0x92: {  	v7 =	vmov s4;
	s4 =	simm.s32 $0x1;
	s2 =	sadd.s32 s2, s22;
	p0 =	por !p0, !p0  }
0x93: {  	vm1 =	veq.s32 v7, v0;
	s2 =	sshra.s32 s2, $0x4;
	s4 =	simm.s32 @!p0 $0x0  }
0x94: {  	v5 =	vnsel vm1, $0x0, v5;
	s2 =	ssub.s32 s2, s4  }
0x95: {  	v5 =	vadd.f32 v5, v6;
	s4 =	sshll.u32 s2, $0x4;
	s2 =	sshll.u32 s2, $0x7  }
0x96: {  	s21 =	sand.u32 $0x70, s4;
	s2 =	sand.u32 $0xFFFFFC00, s2  }
0x97: {  	s5 =	spop (v2sf);
	[tilespmem:$0x480] =	vst v5;
	s2 =	sor.u32 s21, s2  }
0x98: {  	v42 =	vld [tilespmem:s2+$0x580];
	s2 =	sand.u32 $0xF, s5  }
0x99: {  	p3 =	slt.s32 s5, $0x1;
	s21 =	sshra.s32 s5, $0x1F;
	p4 =	sne.s32 s2, $0x0  }
0x9a: {  	(v2sf) =	vpush v4, $0x4;
	s4 =	ssub.s32 s22, s4;
	s22 =	sshrl.u32 s21, $0x1C;
	p0 =	por !p3, !p4  }
0x9b: {  	v43 =	vmov s4;
	s4 =	simm.s32 $0x1;
	s21 =	sadd.s32 s22, s5;
	p0 =	por !p0, !p0  }
0x9c: {  	vm1 =	veq.s32 v43, v0;
	s2 =	sshra.s32 s21, $0x4;
	s4 =	simm.s32 @!p0 $0x0  }
0x9d: {  	v6 =	vnsel vm1, $0x0, v42;
	s2 =	ssub.s32 s2, s4  }
0x9e: {  	v5 =	vadd.f32 v5, v6;
	s4 =	sshll.u32 s2, $0x4;
	s2 =	sshll.u32 s2, $0x7  }
0x9f: {  	s22 =	sand.u32 $0x70, s4;
	s2 =	sand.u32 $0xFFFFFC00, s2  }
0xa0: {  	s21 =	spop (v2sf);
	[tilespmem:$0x480] =	vst v5;
	s2 =	sor.u32 s22, s2  }
0xa1: {  	v44 =	vld [tilespmem:s2+$0x600];
	s2 =	sand.u32 $0xF, s21  }
0xa2: {  	p5 =	slt.s32 s21, $0x1;
	s22 =	sshra.s32 s21, $0x1F;
	p6 =	sne.s32 s2, $0x0  }
0xa3: {  	(v2sf) =	vpush v4, $0x5;
	s5 =	ssub.s32 s5, s4;
	s22 =	sshrl.u32 s22, $0x1C;
	p0 =	por !p5, !p6  }
0xa4: {  	s4 =	simm.s32 $0x1;
	v45 =	vmov s5;
	s5 =	sadd.s32 s22, s21;
	p0 =	por !p0, !p0  }
0xa5: {  	vm1 =	veq.s32 v45, v0;
	s2 =	sshra.s32 s5, $0x4;
	s4 =	simm.s32 @!p0 $0x0  }
0xa6: {  	v6 =	vnsel vm1, $0x0, v44;
	s2 =	ssub.s32 s2, s4  }
0xa7: {  	v5 =	vadd.f32 v5, v6;
	s4 =	sshll.u32 s2, $0x4;
	s2 =	sshll.u32 s2, $0x7  }
0xa8: {  	s22 =	sand.u32 $0x70, s4;
	s2 =	sand.u32 $0xFFFFFC00, s2  }
0xa9: {  	s5 =	spop (v2sf);
	[tilespmem:$0x480] =	vst v5;
	s2 =	sor.u32 s22, s2  }
0xaa: {  	v46 =	vld [tilespmem:s2+$0x680];
	s2 =	sand.u32 $0xF, s5  }
0xab: {  	p1 =	slt.s32 s5, $0x1;
	s22 =	sshra.s32 s5, $0x1F;
	p2 =	sne.s32 s2, $0x0  }
0xac: {  	(v2sf) =	vpush v4, $0x6;
	s21 =	ssub.s32 s21, s4;
	s22 =	sshrl.u32 s22, $0x1C;
	p0 =	por !p1, !p2  }
0xad: {  	s4 =	simm.s32 $0x1;
	v47 =	vmov s21;
	s21 =	sadd.s32 s22, s5;
	p0 =	por !p0, !p0  }
0xae: {  	vm1 =	veq.s32 v47, v0;
	s2 =	sshra.s32 s21, $0x4;
	s4 =	simm.s32 @!p0 $0x0  }
0xaf: {  	v6 =	vnsel vm1, $0x0, v46;
	s2 =	ssub.s32 s2, s4  }
0xb0: {  	v5 =	vadd.f32 v5, v6;
	s4 =	sshll.u32 s2, $0x4;
	s2 =	sshll.u32 s2, $0x7  }
0xb1: {  	s22 =	sand.u32 $0x70, s4;
	s2 =	sand.u32 $0xFFFFFC00, s2  }
0xb2: {  	s21 =	spop (v2sf);
	[tilespmem:$0x480] =	vst v5;
	s2 =	sor.u32 s22, s2  }
0xb3: {  	v48 =	vld [tilespmem:s2+$0x700];
	s2 =	sand.u32 $0xF, s21  }
0xb4: {  	(v2sf) =	vpush v4, $0x7;
	p3 =	slt.s32 s21, $0x1;
	s22 =	sshra.s32 s21, $0x1F;
	p4 =	sne.s32 s2, $0x0  }
0xb5: {  	s5 =	ssub.s32 s5, s4;
	s22 =	sshrl.u32 s22, $0x1C;
	p0 =	por !p3, !p4  }
0xb6: {  	s4 =	simm.s32 $0x1;
	v4 =	vmov s5;
	s5 =	sadd.s32 s22, s21;
	p0 =	por !p0, !p0  }
0xb7: {  	vm1 =	veq.s32 v4, v0;
	s2 =	sshra.s32 s5, $0x4;
	s4 =	simm.s32 @!p0 $0x0  }
0xb8: {  	v4 =	vnsel vm1, $0x0, v48;
	s2 =	ssub.s32 s2, s4  }
0xb9: {  	v4 =	vadd.f32 v5, v4;
	s4 =	sshll.u32 s2, $0x4;
	s2 =	sshll.u32 s2, $0x7  }
0xba: {  	s22 =	sand.u32 $0x70, s4;
	s2 =	sand.u32 $0xFFFFFC00, s2  }
0xbb: {  	s5 =	spop (v2sf);
	[tilespmem:$0x480] =	vst v4;
	s2 =	sor.u32 s22, s2  }
0xbc: {  	v5 =	vld [tilespmem:s2+$0x780];
	s2 =	sand.u32 $0xF, s5  }
0xbd: {  	p5 =	slt.s32 s5, $0x1;
	s22 =	sshra.s32 s5, $0x1F;
	p6 =	sne.s32 s2, $0x0  }
0xbe: {  	s4 =	ssub.s32 s21, s4;
	s21 =	sshrl.u32 s22, $0x1C;
	p0 =	por !p5, !p6  }
0xbf: {  	v49 =	vmov s4;
	s4 =	simm.s32 $0x1;
	s22 =	sadd.s32 s21, s5;
	p0 =	por !p0, !p0  }
0xc0: {  	vm1 =	veq.s32 v49, v0;
	s2 =	sshra.s32 s22, $0x4;
	s4 =	simm.s32 @!p0 $0x0  }
0xc1: {  	v5 =	vnsel vm1, $0x0, v5;
	s2 =	ssub.s32 s2, s4  }
0xc2: {  	v4 =	vadd.f32 v4, v5;
	s4 =	sshll.u32 s2, $0x4;
	s2 =	sshll.u32 s2, $0x7  }
0xc3: {  	s22 =	spop (v2sf);
	s21 =	sand.u32 $0x70, s4;
	s2 =	sand.u32 $0xFFFFFC00, s2  }
0xc4: {  	[tilespmem:$0x480] =	vst v4;
	s2 =	sor.u32 s21, s2;
	s21 =	sand.u32 $0xF, s22  }
0xc5: {  	p2 =	slt.s32 s22, $0x1;
	v5 =	vld [tilespmem:s2+$0x800];
	p1 =	sne.s32 s21, $0x0;
	s21 =	sshra.s32 s22, $0x1F  }
0xc6: {  	s4 =	ssub.s32 s5, s4;
	s2 =	sshrl.u32 s21, $0x1C;
	p0 =	por !p2, !p1  }
0xc7: {  	s5 =	simm.s32 $0x1;
	s2 =	sadd.s32 s2, s22;
	p0 =	por !p0, !p0  }
0xc8: {  	v50 =	vmov s4;
	s2 =	sshra.s32 s2, $0x4;
	s5 =	simm.s32 @!p0 $0x0  }
0xc9: {  	vm1 =	veq.s32 v50, v0;
	s2 =	ssub.s32 s2, s5  }
0xca: {  	v5 =	vnsel vm1, $0x0, v5;
	s4 =	sshll.u32 s2, $0x4  }
0xcb: {  	s2 =	sshll.u32 s2, $0x7;
	v4 =	vadd.f32 v4, v5;
	s21 =	sand.u32 $0x70, s4  }
0xcc: {  	s2 =	sor.u32 s2, s21  }
0xcd: {  	[tilespmem:$0x480] =	vst v4;
	s2 =	sor.u32 $0x380, s2  }
0xce: {  	v5 =	vld [tilespmem:s2+$0x500];
	_ =	sdelay $0x1  }
0xcf: {  	s4 =	ssub.s32 s22, s4  }
0xd0: {  	v51 =	vmov s4  }
0xd1: {  	vm1 =	veq.s32 v51, v0  }
0xd2: {  	v5 =	vnsel vm1, $0x0, v5  }
0xd3: {  	v4 =	vadd.f32 v4, v5;
	_ =	sdelay $0x1  }
0xd4: {  	[tilespmem:$0x480] =	vst v4  }
0xd5: {  	[hbm4b:s23+s3] =	stream.linear.scatter [tilespmem:s26], [sflag:$0x3], $0x8000, $0x38;
	[tilespmem:$0x10500] =	vst v63  }
0xd6: {  	_ =	swait.ge [sflag:s24], $0x8000  }
0xd7: {  	[sflag:s24] =	ssyncset.done $0x0  }
0xd8: {  	[sflag:s24] =	ssyncadd.s32 $0xFFFF8000  }
0xd9: {  	_ =	swait.ge [sflag:s30], $0x8000  }
0xda: {  	[sflag:s30] =	ssyncset.done $0x0  }
0xdb: {  	[sflag:s30] =	ssyncadd.s32 $0xFFFF8000  }
0xdc: {  	v4 =	vld [tilespmem:s31+$0x208];
	_ =	sdelay $0x4  }
0xdd: {  	(v2sf) =	vpush v4, $0x0;
	_ =	sdelay $0x8  }
0xde: {  	(v2sf) =	vpush v4, $0x1;
	_ =	sdelay $0x5  }
0xdf: {  	s2 =	spop (v2sf)  }
0xe0: {  	s5 =	sand.u32 $0xF, s2  }
0xe1: {  	s21 =	sshra.s32 s2, $0x1F;
	p3 =	slt.s32 s2, $0x1;
	p4 =	sne.s32 s5, $0x0  }
0xe2: {  	(v2sf) =	vpush v4, $0x2;
	s22 =	sshrl.u32 s21, $0x1C;
	p0 =	por !p3, !p4  }
0xe3: {  	s5 =	simm.s32 $0x1;
	s4 =	sadd.s32 s22, s2;
	p0 =	por !p0, !p0  }
0xe4: {  	s4 =	sshra.s32 s4, $0x4;
	s5 =	simm.s32 @!p0 $0x0  }
0xe5: {  	s4 =	ssub.s32 s4, s5  }
0xe6: {  	s5 =	sshll.u32 s4, $0x4;
	s4 =	sshll.u32 s4, $0x7  }
0xe7: {  	s31 =	sand.u32 $0x70, s5;
	s4 =	sand.u32 $0xFFFFFC00, s4  }
0xe8: {  	s21 =	spop (v2sf);
	s4 =	sor.u32 s31, s4  }
0xe9: {  	s22 =	sand.u32 $0xF, s21;
	v5 =	vld [tilespmem:s4+$0x8500]  }
0xea: {  	v52 =	vld [tilespmem:$0x480];
	p5 =	slt.s32 s21, $0x1;
	p6 =	sne.s32 s22, $0x0;
	s31 =	sshra.s32 s21, $0x1F  }
0xeb: {  	(v2sf) =	vpush v4, $0x3;
	p0 =	por !p5, !p6;
	s2 =	ssub.s32 s2, s5;
	s5 =	sshrl.u32 s31, $0x1C  }
0xec: {  	p0 =	por !p0, !p0;
	v53 =	vmov s2;
	s4 =	simm.s32 $0x1;
	s22 =	sadd.s32 s5, s21  }
0xed: {  	vm1 =	veq.s32 v53, v0;
	s4 =	simm.s32 @!p0 $0x0;
	s2 =	sshra.s32 s22, $0x4  }
0xee: {  	s2 =	ssub.s32 s2, s4;
	v5 =	vnsel vm1, $0x0, v5  }
0xef: {  	s4 =	sshll.u32 s2, $0x4;
	s2 =	sshll.u32 s2, $0x7;
	v5 =	vadd.f32 v5, v52  }
0xf0: {  	s31 =	sand.u32 $0x70, s4;
	s2 =	sand.u32 $0xFFFFFC00, s2  }
0xf1: {  	s5 =	spop (v2sf);
	s2 =	sor.u32 s31, s2;
	[tilespmem:$0x480] =	vst v5  }
0xf2: {  	s22 =	sand.u32 $0xF, s5;
	v54 =	vld [tilespmem:s2+$0x8580]  }
0xf3: {  	s31 =	sshra.s32 s5, $0x1F;
	p1 =	slt.s32 s5, $0x1;
	p2 =	sne.s32 s22, $0x0  }
0xf4: {  	s4 =	ssub.s32 s21, s4;
	(v2sf) =	vpush v4, $0x4;
	s21 =	sshrl.u32 s31, $0x1C;
	p0 =	por !p1, !p2  }
0xf5: {  	v55 =	vmov s4;
	s4 =	simm.s32 $0x1;
	s22 =	sadd.s32 s21, s5;
	p0 =	por !p0, !p0  }
0xf6: {  	vm1 =	veq.s32 v55, v0;
	s2 =	sshra.s32 s22, $0x4;
	s4 =	simm.s32 @!p0 $0x0  }
0xf7: {  	s2 =	ssub.s32 s2, s4;
	v6 =	vnsel vm1, $0x0, v54  }
0xf8: {  	s4 =	sshll.u32 s2, $0x4;
	s2 =	sshll.u32 s2, $0x7;
	v5 =	vadd.f32 v5, v6  }
0xf9: {  	s31 =	sand.u32 $0x70, s4;
	s2 =	sand.u32 $0xFFFFFC00, s2  }
0xfa: {  	s21 =	spop (v2sf);
	s2 =	sor.u32 s31, s2;
	[tilespmem:$0x480] =	vst v5  }
0xfb: {  	s22 =	sand.u32 $0xF, s21;
	v56 =	vld [tilespmem:s2+$0x8600]  }
0xfc: {  	p3 =	slt.s32 s21, $0x1;
	p4 =	sne.s32 s22, $0x0;
	s31 =	sshra.s32 s21, $0x1F  }
0xfd: {  	(v2sf) =	vpush v4, $0x5;
	p0 =	por !p3, !p4;
	s4 =	ssub.s32 s5, s4;
	s5 =	sshrl.u32 s31, $0x1C  }
0xfe: {  	p0 =	por !p0, !p0;
	v57 =	vmov s4;
	s4 =	simm.s32 $0x1;
	s22 =	sadd.s32 s5, s21  }
0xff: {  	vm1 =	veq.s32 v57, v0;
	s4 =	simm.s32 @!p0 $0x0;
	s2 =	sshra.s32 s22, $0x4  }
0x100: {  	s2 =	ssub.s32 s2, s4;
	v6 =	vnsel vm1, $0x0, v56  }
0x101: {  	s4 =	sshll.u32 s2, $0x4;
	s2 =	sshll.u32 s2, $0x7;
	v5 =	vadd.f32 v5, v6  }
0x102: {  	s31 =	sand.u32 $0x70, s4;
	s2 =	sand.u32 $0xFFFFFC00, s2  }
0x103: {  	s5 =	spop (v2sf);
	s2 =	sor.u32 s31, s2;
	[tilespmem:$0x480] =	vst v5  }
0x104: {  	s22 =	sand.u32 $0xF, s5;
	v58 =	vld [tilespmem:s2+$0x8680]  }
0x105: {  	p5 =	slt.s32 s5, $0x1;
	s31 =	sshra.s32 s5, $0x1F;
	p6 =	sne.s32 s22, $0x0  }
0x106: {  	(v2sf) =	vpush v4, $0x6;
	s4 =	ssub.s32 s21, s4;
	s21 =	sshrl.u32 s31, $0x1C;
	p0 =	por !p5, !p6  }
0x107: {  	v59 =	vmov s4;
	s4 =	simm.s32 $0x1;
	s22 =	sadd.s32 s21, s5;
	p0 =	por !p0, !p0  }
0x108: {  	vm1 =	veq.s32 v59, v0;
	s4 =	simm.s32 @!p0 $0x0;
	s2 =	sshra.s32 s22, $0x4  }
0x109: {  	s2 =	ssub.s32 s2, s4;
	v6 =	vnsel vm1, $0x0, v58  }
0x10a: {  	s4 =	sshll.u32 s2, $0x4;
	s2 =	sshll.u32 s2, $0x7;
	v5 =	vadd.f32 v5, v6  }
0x10b: {  	s31 =	sand.u32 $0x70, s4;
	s2 =	sand.u32 $0xFFFFFC00, s2  }
0x10c: {  	s21 =	spop (v2sf);
	s2 =	sor.u32 s31, s2;
	[tilespmem:$0x480] =	vst v5  }
0x10d: {  	s22 =	sand.u32 $0xF, s21;
	v60 =	vld [tilespmem:s2+$0x8700]  }
0x10e: {  	(v2sf) =	vpush v4, $0x7;
	p1 =	slt.s32 s21, $0x1;
	p2 =	sne.s32 s22, $0x0;
	s31 =	sshra.s32 s21, $0x1F  }
0x10f: {  	p0 =	por !p1, !p2;
	s4 =	ssub.s32 s5, s4;
	s5 =	sshrl.u32 s31, $0x1C  }
0x110: {  	p0 =	por !p0, !p0;
	v4 =	vmov s4;
	s4 =	simm.s32 $0x1;
	s22 =	sadd.s32 s5, s21  }
0x111: {  	vm1 =	veq.s32 v4, v0;
	s4 =	simm.s32 @!p0 $0x0;
	s2 =	sshra.s32 s22, $0x4  }
0x112: {  	s2 =	ssub.s32 s2, s4;
	v4 =	vnsel vm1, $0x0, v60  }
0x113: {  	s4 =	sshll.u32 s2, $0x4;
	s2 =	sshll.u32 s2, $0x7;
	v4 =	vadd.f32 v5, v4  }
0x114: {  	s31 =	sand.u32 $0x70, s4;
	s2 =	sand.u32 $0xFFFFFC00, s2  }
0x115: {  	s22 =	spop (v2sf);
	s2 =	sor.u32 s31, s2;
	[tilespmem:$0x480] =	vst v4  }
0x116: {  	s5 =	sand.u32 $0xF, s22;
	v5 =	vld [tilespmem:s2+$0x8780]  }
0x117: {  	p3 =	slt.s32 s22, $0x1;
	p4 =	sne.s32 s5, $0x0;
	s31 =	sshra.s32 s22, $0x1F  }
0x118: {  	s4 =	ssub.s32 s21, s4;
	p0 =	por !p3, !p4;
	s5 =	sshrl.u32 s31, $0x1C  }
0x119: {  	v61 =	vmov s4;
	p0 =	por !p0, !p0;
	s4 =	simm.s32 $0x1;
	s21 =	sadd.s32 s5, s22  }
0x11a: {  	vm1 =	veq.s32 v61, v0;
	s4 =	simm.s32 @!p0 $0x0;
	s2 =	sshra.s32 s21, $0x4  }
0x11b: {  	s2 =	ssub.s32 s2, s4;
	v5 =	vnsel vm1, $0x0, v5  }
0x11c: {  	s4 =	sshll.u32 s2, $0x4;
	s2 =	sshll.u32 s2, $0x7;
	v4 =	vadd.f32 v4, v5  }
0x11d: {  	s21 =	spop (v2sf);
	s31 =	sand.u32 $0x70, s4;
	s2 =	sand.u32 $0xFFFFFC00, s2  }
0x11e: {  	s2 =	sor.u32 s31, s2;
	s31 =	sand.u32 $0xF, s21;
	[tilespmem:$0x480] =	vst v4  }
0x11f: {  	s5 =	sshra.s32 s21, $0x1F;
	p6 =	slt.s32 s21, $0x1;
	p5 =	sne.s32 s31, $0x0;
	v5 =	vld [tilespmem:s2+$0x8800]  }
0x120: {  	s4 =	ssub.s32 s22, s4;
	p0 =	por !p6, !p5;
	s2 =	sshrl.u32 s5, $0x1C  }
0x121: {  	p0 =	por !p0, !p0;
	s5 =	simm.s32 $0x1;
	s2 =	sadd.s32 s2, s21  }
0x122: {  	v62 =	vmov s4;
	s5 =	simm.s32 @!p0 $0x0;
	s2 =	sshra.s32 s2, $0x4  }
0x123: {  	vm1 =	veq.s32 v62, v0;
	s2 =	ssub.s32 s2, s5  }
0x124: {  	s22 =	sshll.u32 s2, $0x4;
	v5 =	vnsel vm1, $0x0, v5  }
0x125: {  	s2 =	sshll.u32 s2, $0x7;
	s31 =	sand.u32 $0x70, s22;
	v4 =	vadd.f32 v4, v5  }
0x126: {  	s2 =	sor.u32 s2, s31  }
0x127: {  	s2 =	sor.u32 $0x380, s2;
	[tilespmem:$0x480] =	vst v4  }
0x128: {  	v5 =	vld [tilespmem:s2+$0x8500];
	_ =	sdelay $0x1  }
0x129: {  	s22 =	ssub.s32 s21, s22  }
0x12a: {  	v63 =	vmov s22  }
0x12b: {  	vm1 =	veq.s32 v63, v0  }
0x12c: {  	v5 =	vnsel vm1, $0x0, v5  }
0x12d: {  	v4 =	vadd.f32 v4, v5  }
0x12e: {  	p0 =	sne.s32 s25, $0x7C0  }
.Ltmp0:
0x12f: {  	s31 =	sadd.s32 $0x1000, s23;
	[tilespmem:$0x480] =	vst v4;
	(pc) =	sbr.rel @p0 .LBB2_2-.Ltmp0, $4  }
0x130: {  	[hbm4b:s31+s3] =	stream.linear.scatter [tilespmem:s28], [sflag:$0x3], $0x8000, $0x38;
	[tilespmem:$0x10500] =	vst v63  }
0x131: {  	_ =	swait.ge [sflag:s24], $0x8000  }
0x132: {  	[sflag:s24] =	ssyncset.done $0x0  }
0x133: {  	s25 =	sadd.s32 $0x40, s25;
	s23 =	sadd.s32 $0x2000, s23;
	[sflag:s24] =	ssyncadd.s32 $0xFFFF8000  }
0x134: {  	s2 =	sld [smem:$0x7F9];
	_ =	sdelay $0x1  }
0x135: {  	s4 =	simm.s32 $0x480  }
0x136: {  	[hbm4b:s2+s3] =	stream.linear.scatter [tilespmem:s4], [sflag:$0x3], $0x80, $0x38;
	[tilespmem:$0x10500] =	vst v63  }
0x137: {  	_ =	swait.ge [sflag:s24], $0x80  }
0x138: {  	s31 =	sld [smem:$0x7FA];
	_ =	sdelay $0x1  }
0x139: {  	s0 =	sadd.s32 $0x1, s0  }
0x13a: {  	p0 =	sne.s32 s0, s31  }
.Ltmp1:
0x13b: {  	_ = 	snop;
	(pc) =	sbr.rel @p0 .LBB2_1-.Ltmp1, $3  }
0x13c: {  	_ =	sdelay $0x1  }
0x13d: {  	[sflag:s24] =	ssyncset.done $0x0  }
0x13e: {  	[sflag:s24] =	ssyncadd.s32 $0xFFFFFF80  }
0x13f: {  	_ =	sfence.sel $0x180000  }
0x140: {  	[bflag:$0x0] =	sbarrier.arrive $0xFFFF  }
0x141: {  	_ =	strace $0x90000047  }
0x142: {  	s0 =	stileid.u32;
	[bflag:$0x2] =	sbarrier.arrive $0xFFFF  }
0x143: {  	p0 =	sne.s32 s0, $0x0;
	s0 =	rddreg [dreg:$0x3]  }
0x144: {  	s0 =	sadd.s32 @!p0 $0x100000, s0  }
0x145: {  	[sflag:s0] =	ssyncadd.tile.s32 @!p0 $0x1;
	_ =	shalt  }
.Lfunc_end2:
_tile_overlayer_lowered:
.L_overlay_start_2:
0x146: {  	(tag) =	ssettag $0x2  }
0x147: {  	s0 =	rddreg [dreg:$0x0];
	s2 =	stileid.u32  }
0x148: {  	s1 =	rddreg [dreg:$0x1];
	p0 =	sne.s32 s2, $0x0  }
0x149: {  	s3 =	rddreg [dreg:$0x2];
	[bflag:$0x3] =	sbarrier.arrive $0xFFFF;
	s2 =	simm.s32 @!p0 $0x1C03  }
0x14a: {  	[timem:s3], [sflag:s2] =	dma.local @!p0 [hbm:s0], s1  }
0x14b: {  	s0 =	simm.s32 @!p0 $0x3  }
0x14c: {  	_ =	swait.ge @!p0 [sflag:s0], s1  }
0x14d: {  	s1 =	ssub.s32 @!p0 $0x0, s1;
	[sflag:s0] =	ssyncset.done @!p0 $0x0  }
0x14e: {  	[sflag:s0] =	ssyncadd.s32 @!p0 s1  }
0x14f: {  	[bflag:$0x3] =	sbarrier.arrive $0xFFFF  }
0x150: {  	_ =	shalt  }

</sc_bundles>
